<compile_context>
chip_gen: v7x
topology: tpu7x:2x2x1
jax: 0.10.2.dev20260603
libtpu: 0.0.44.dev20260713+nightly
codegen_flags: <defaults>
</compile_context>

<pallas_src>
import functools

import jax
import jax.numpy as jnp
from jax import lax
from jax.experimental import pallas as pl
from jax.experimental.pallas import tpu as pltpu
from jax.experimental.pallas import tpu_sc as plsc

_NUM_HYPO = 5
_K = _NUM_HYPO - 1
_DIST_THRESH = 2.0
_TB = 512


def _topk_body(a_ref, c_ref, ids_ref, mask_ref):
    b = pl.program_id(0)
    n = c_ref.shape[2]
    cw = 512
    nch = n // cw
    ax = a_ref[0, :, 0:1]
    ay = a_ref[0, :, 1:2]
    cx = c_ref[0, 0:1, :]
    cy = c_ref[0, 1:2, :]
    dx = ax - cx
    dy = ay - cy
    dist = jnp.sqrt(dx * dx + dy * dy)
    col = lax.broadcasted_iota(jnp.int32, dist.shape, 1)
    lane = lax.broadcasted_iota(jnp.int32, (dist.shape[0], cw), 1).astype(
        jnp.float32
    )
    base = b * (n + 1)
    big = jnp.float32(2.0 * n)
    id_cols = []
    mask_cols = []
    for h in range(_K):
        best_v = dist[:, 0:cw]
        best_c = jnp.zeros((dist.shape[0], cw), jnp.float32)
        for j in range(1, nch):
            vj = dist[:, j * cw : (j + 1) * cw]
            pred = vj < best_v
            best_v = jnp.minimum(best_v, vj)
            best_c = jnp.where(pred, jnp.float32(j), best_c)
        m = jnp.min(best_v, axis=1, keepdims=True)
        gcol = best_c * cw + lane
        idxf = jnp.min(
            jnp.where(best_v == m, gcol, big), axis=1, keepdims=True
        )
        idx = idxf.astype(jnp.int32)
        valid = m < _DIST_THRESH
        id_cols.append(base + jnp.where(valid, idx, n))
        mask_cols.append(valid.astype(jnp.int32))
        if h < _K - 1:
            dist = jnp.where(col == idx, jnp.float32(jnp.inf), dist)
    ids_ref[0] = jnp.concatenate(id_cols, axis=1)
    mask_ref[0] = jnp.concatenate(mask_cols, axis=1)


def _topk_call(axy, cxy_t, interpret=False):
    B, T, _ = axy.shape
    N = cxy_t.shape[2]
    grid = (B, T // _TB)
    return pl.pallas_call(
        _topk_body,
        grid=grid,
        in_specs=[
            pl.BlockSpec((1, _TB, 2), lambda b, t: (b, t, 0)),
            pl.BlockSpec((1, 2, N), lambda b, t: (b, 0, 0)),
        ],
        out_specs=[
            pl.BlockSpec((1, _TB, _K), lambda b, t: (b, t, 0)),
            pl.BlockSpec((1, _TB, _K), lambda b, t: (b, t, 0)),
        ],
        out_shape=[
            jax.ShapeDtypeStruct((B, T, _K), jnp.int32),
            jax.ShapeDtypeStruct((B, T, _K), jnp.int32),
        ],
        interpret=interpret,
    )(axy, cxy_t)


def _make_sc_gather(num_rows, row_w, total):
    info = plsc.get_sparse_core_info()
    nc, ns = info.num_cores, info.num_subcores
    nw = nc * ns
    rpw = total // nw
    ch = rpw // 128
    mesh = plsc.VectorSubcoreMesh(core_axis_name="c", subcore_axis_name="s")

    @functools.partial(
        pl.kernel,
        mesh=mesh,
        out_type=jax.ShapeDtypeStruct((total, row_w), jnp.float32),
        scratch_types=[
            pltpu.VMEM((ch, 128), jnp.int32),
            pltpu.VMEM((rpw, row_w), jnp.float32),
            pltpu.SemaphoreType.DMA,
        ],
        compiler_params=pltpu.CompilerParams(use_tc_tiling_on_sc=False),
    )
    def gather_kernel(table_hbm, idx_hbm, out_hbm, idx_v, rows_v, sem):
        wid = lax.axis_index("s") * nc + lax.axis_index("c")
        pltpu.sync_copy(idx_hbm.at[wid], idx_v)
        copies = []
        for j in range(ch):
            copies.append(
                pltpu.async_copy(
                    table_hbm.at[idx_v.at[j]],
                    rows_v.at[pl.ds(j * 128, 128)],
                    sem,
                )
            )
        for c in copies:
            c.wait()
        pltpu.sync_copy(rows_v, out_hbm.at[pl.ds(wid * rpw, rpw)])

    return gather_kernel


def kernel(transfered_det, det_boxes3d, traj):
    B, T, _ = transfered_det.shape
    N = det_boxes3d.shape[1]
    L = traj.shape[1]

    axy = transfered_det[:, :, :2]
    cxy_t = jnp.transpose(det_boxes3d[:, :, :2], (0, 2, 1))
    flat_ids, maskv = _topk_call(axy, cxy_t)

    table = jnp.pad(det_boxes3d, ((0, 0), (0, 1), (0, 9)))
    table = table.reshape(B * (N + 1), 16)

    nw = 32
    idx3 = flat_ids.reshape(nw, (B * T * _K) // (nw * 128), 128)
    gathered = _make_sc_gather(B * (N + 1), 16, B * T * _K)(table, idx3)
    boxes = gathered.reshape(B, T, _K, 16)[..., :8]

    cand = jnp.concatenate([transfered_det[:, :, None, :], boxes], axis=2)
    global_candidates = cand[:, None]
    traj_rep = jnp.broadcast_to(
        traj[:, :, :, None, :], (B, L, T, _NUM_HYPO, traj.shape[-1])
    )
    hypotheses = jnp.concatenate([global_candidates, traj_rep], axis=1)
    valid_mask = maskv != 0
    return (hypotheses, global_candidates, valid_mask)

# --- scband reference (transcript-rebuilt; emitter-appended) ---
"""Pipeline reference for scband-motion-prediction-69166153335040 (READ-ONLY COPY).

The authoritative reference and input builder live on the scoring server;
editing this copy changes nothing except your own understanding.
"""

import jax, jax.numpy as jnp
import numpy as np

NUM_HYPO = 5
DIST_THRESH = 2.0


def setup_inputs(seed: int = 0) -> dict:
    key = jax.random.key(seed)
    k1, k2, k3 = jax.random.split(key, 3)
    B, num_track, N_det, len_traj = 8, 1024, 4096, 10
    transfered_det = jax.random.normal(k1, (B, num_track, 8), dtype=jnp.float32)
    det_boxes3d = jax.random.normal(k2, (B, N_det, 7), dtype=jnp.float32)
    traj = jax.random.normal(k3, (B, len_traj, num_track, 8), dtype=jnp.float32)
    return {"transfered_det": transfered_det, "det_boxes3d": det_boxes3d, "traj": traj}


def reference(transfered_det, det_boxes3d, traj):
    # Faithful JAX translation of MotionPrediction.genereate_trajcetory_hypotheses
    num_hypo = NUM_HYPO
    B, num_track = transfered_det.shape[0], transfered_det.shape[1]
    N_det = det_boxes3d.shape[1]
    # torch.cdist(transfered_det[:, :, :2], det_boxes3d[:, :, :2], 2)
    a = transfered_det[:, :, :2]
    c = det_boxes3d[:, :, :2]
    d2 = jnp.sum((a[:, :, None, :] - c[:, None, :, :]) ** 2, axis=-1)
    dist = jnp.sqrt(jnp.maximum(d2, 0.0))
    # top-k of -dist -> nearest detections per track
    neg_min_value, matched_det_id = jax.lax.top_k(-dist, num_hypo - 1)
    valid_dist_mask = (-neg_min_value) < DIST_THRESH
    # default id is background slot (N_det); overwrite where valid
    matched_id = jnp.where(valid_dist_mask, matched_det_id, N_det)
    det_boxes_with_bg = jnp.concatenate(
        [det_boxes3d, jnp.zeros((B, 1, 7), dtype=det_boxes3d.dtype)], axis=1)
    batch_index = jnp.arange(B).reshape(-1, 1, 1)
    group_det_boxes = det_boxes_with_bg[batch_index, matched_id]  # [B, T, H-1, 7]
    time = jnp.zeros((B, num_track, num_hypo - 1, 1), dtype=det_boxes3d.dtype)
    group_det_boxes = jnp.concatenate([group_det_boxes, time], axis=-1)
    td = transfered_det[:, None, :, None, :]  # [B,1,T,1,8]
    global_candidates = jnp.concatenate([td, group_det_boxes[:, None]], axis=3)  # [B,1,T,H,8]
    traj_repeat = jnp.repeat(traj[:, :, :, None, :], global_candidates.shape[3], axis=3)
    trajcetory_hypotheses = jnp.concatenate([global_candidates, traj_repeat], axis=1)
    return (trajcetory_hypotheses, global_candidates, valid_dist_mask)

if __name__ == "__main__":
    import jax
    _d = setup_inputs()
    print(jax.jit(kernel)(*tuple(_d.values())))

</pallas_src>

<mosaic_0001>
#map = affine_map<(d0, d1) -> (0, 0)>
#map1 = affine_map<(d0, d1) -> (0, 0, 0)>
module attributes {stable_mosaic.version = 14 : i64} {
  func.func @gather_kernel(%arg0: i32, %arg1: i32, %arg2: memref<32776x16xf32, #tpu.memory_space<hbm>>, %arg3: memref<32x8x128xi32, #tpu.memory_space<hbm>>, %arg4: memref<32768x16xf32, #tpu.memory_space<hbm>>, %arg5: memref<8x128xi32, #tpu.memory_space<vmem>>, %arg6: memref<1024x16xf32, #tpu.memory_space<vmem>>, %arg7: memref<!tpu.dma_semaphore, #tpu.memory_space<semaphore_mem>>) attributes {dimension_semantics = [#tpu.dimension_semantics<core_parallel>, #tpu.dimension_semantics<subcore_parallel>], iteration_bounds = array<i64: 2, 16>, scalar_prefetch = 0 : i64, scratch_operands = 3 : i64, tpu.core_type = #tpu.core_type<sc_vector_subcore>, window_params = [{transform_indices = #map}, {transform_indices = #map1}, {transform_indices = #map}]} {
    %mul3A = arith.constant 2 : i32
    %mul3A_0 = arith.muli %arg1, %mul3A : i32
    %add3A = arith.addi %mul3A_0, %arg0 : i32
    "tpu.region"() ({
      %run_scoped3A = tpu.sem_alloc : memref<!tpu.dma_semaphore, #tpu.memory_space<semaphore_mem>>
      %dma_start3A_161 = arith.constant 0 : i32
      %dma_start3A_162 = arith.constant 0 : i32
      %dma_start3A_163 = tpu.memref_slice %arg3[%add3A, %dma_start3A_161, %dma_start3A_162] : memref<32x8x128xi32, #tpu.memory_space<hbm>> -> memref<1x8x128xi32, #tpu.memory_space<hbm>>
      %dma_start3A_164 = tpu.memref_squeeze %dma_start3A_163 : memref<1x8x128xi32, #tpu.memory_space<hbm>> -> memref<8x128xi32, #tpu.memory_space<hbm>>
      %dma_start3A_165 = arith.constant 0 : i32
      %dma_start3A_166 = arith.constant 0 : i32
      %dma_start3A_167 = tpu.memref_slice %arg3[%add3A, %dma_start3A_165, %dma_start3A_166] : memref<32x8x128xi32, #tpu.memory_space<hbm>> -> memref<1x8x128xi32, #tpu.memory_space<hbm>>
      %dma_start3A_168 = tpu.memref_squeeze %dma_start3A_167 : memref<1x8x128xi32, #tpu.memory_space<hbm>> -> memref<8x128xi32, #tpu.memory_space<hbm>>
      tpu.enqueue_dma source(%dma_start3A_168 : memref<8x128xi32, #tpu.memory_space<hbm>>) target(%arg5 : memref<8x128xi32, #tpu.memory_space<vmem>>) target_semaphore(%run_scoped3A : memref<!tpu.dma_semaphore, #tpu.memory_space<semaphore_mem>>)
      %dma_wait3A_169 = arith.constant 0 : i32
      %dma_wait3A_170 = arith.constant 0 : i32
      %dma_wait3A_171 = tpu.memref_slice %arg3[%add3A, %dma_wait3A_169, %dma_wait3A_170] : memref<32x8x128xi32, #tpu.memory_space<hbm>> -> memref<1x8x128xi32, #tpu.memory_space<hbm>>
      %dma_wait3A_172 = tpu.memref_squeeze %dma_wait3A_171 : memref<1x8x128xi32, #tpu.memory_space<hbm>> -> memref<8x128xi32, #tpu.memory_space<hbm>>
      %dma_wait3A_173 = arith.constant 0 : i32
      %dma_wait3A_174 = arith.constant 0 : i32
      %dma_wait3A_175 = tpu.memref_slice %arg3[%add3A, %dma_wait3A_173, %dma_wait3A_174] : memref<32x8x128xi32, #tpu.memory_space<hbm>> -> memref<1x8x128xi32, #tpu.memory_space<hbm>>
      %dma_wait3A_176 = tpu.memref_squeeze %dma_wait3A_175 : memref<1x8x128xi32, #tpu.memory_space<hbm>> -> memref<8x128xi32, #tpu.memory_space<hbm>>
      tpu.wait_dma2 semaphore(%run_scoped3A : memref<!tpu.dma_semaphore, #tpu.memory_space<semaphore_mem>>) src(%dma_wait3A_176 : memref<8x128xi32, #tpu.memory_space<hbm>>) dst(%arg5 : memref<8x128xi32, #tpu.memory_space<vmem>>)
      tpu.yield
    }) : () -> ()
    %dma_start3A = arith.constant 0 : i32
    %dma_start3A_1 = arith.constant 0 : i32
    %dma_start3A_2 = arith.constant 0 : i32
    %dma_start3A_3 = tpu.memref_slice %arg6[%dma_start3A_1, %dma_start3A_2] : memref<1024x16xf32, #tpu.memory_space<vmem>> -> memref<128x16xf32, #tpu.memory_space<vmem>>
    %dma_start3A_4 = arith.constant 0 : i32
    %dma_start3A_5 = tpu.memref_slice %arg5[%dma_start3A, %dma_start3A_4] : memref<8x128xi32, #tpu.memory_space<vmem>> -> memref<1x128xi32, #tpu.memory_space<vmem>>
    %dma_start3A_6 = tpu.memref_squeeze %dma_start3A_5 : memref<1x128xi32, #tpu.memory_space<vmem>> -> memref<128xi32, #tpu.memory_space<vmem>>
    %dma_start3A_7 = arith.constant 0 : i32
    %dma_start3A_8 = arith.constant 0 : i32
    %dma_start3A_9 = tpu.memref_slice %arg2[%dma_start3A_7, %dma_start3A_8] : memref<32776x16xf32, #tpu.memory_space<hbm>> -> memref<32776x16xf32, #tpu.memory_space<hbm>>
    tpu.enqueue_indirect_dma source(%dma_start3A_9 : memref<32776x16xf32, #tpu.memory_space<hbm>>) target(%dma_start3A_3 : memref<128x16xf32, #tpu.memory_space<vmem>>) offsets(%dma_start3A_6 : memref<128xi32, #tpu.memory_space<vmem>>) semaphore(%arg7 : memref<!tpu.dma_semaphore, #tpu.memory_space<semaphore_mem>>)
    %dma_start3A_10 = arith.constant 1 : i32
    %dma_start3A_11 = arith.constant 128 : i32
    %dma_start3A_12 = arith.constant 0 : i32
    %dma_start3A_13 = tpu.memref_slice %arg6[%dma_start3A_11, %dma_start3A_12] : memref<1024x16xf32, #tpu.memory_space<vmem>> -> memref<128x16xf32, #tpu.memory_space<vmem>>
    %dma_start3A_14 = arith.constant 0 : i32
    %dma_start3A_15 = tpu.memref_slice %arg5[%dma_start3A_10, %dma_start3A_14] : memref<8x128xi32, #tpu.memory_space<vmem>> -> memref<1x128xi32, #tpu.memory_space<vmem>>
    %dma_start3A_16 = tpu.memref_squeeze %dma_start3A_15 : memref<1x128xi32, #tpu.memory_space<vmem>> -> memref<128xi32, #tpu.memory_space<vmem>>
    %dma_start3A_17 = arith.constant 0 : i32
    %dma_start3A_18 = arith.constant 0 : i32
    %dma_start3A_19 = tpu.memref_slice %arg2[%dma_start3A_17, %dma_start3A_18] : memref<32776x16xf32, #tpu.memory_space<hbm>> -> memref<32776x16xf32, #tpu.memory_space<hbm>>
    tpu.enqueue_indirect_dma source(%dma_start3A_19 : memref<32776x16xf32, #tpu.memory_space<hbm>>) target(%dma_start3A_13 : memref<128x16xf32, #tpu.memory_space<vmem>>) offsets(%dma_start3A_16 : memref<128xi32, #tpu.memory_space<vmem>>) semaphore(%arg7 : memref<!tpu.dma_semaphore, #tpu.memory_space<semaphore_mem>>)
    %dma_start3A_20 = arith.constant 2 : i32
    %dma_start3A_21 = arith.constant 256 : i32
    %dma_start3A_22 = arith.constant 0 : i32
    %dma_start3A_23 = tpu.memref_slice %arg6[%dma_start3A_21, %dma_start3A_22] : memref<1024x16xf32, #tpu.memory_space<vmem>> -> memref<128x16xf32, #tpu.memory_space<vmem>>
    %dma_start3A_24 = arith.constant 0 : i32
    %dma_start3A_25 = tpu.memref_slice %arg5[%dma_start3A_20, %dma_start3A_24] : memref<8x128xi32, #tpu.memory_space<vmem>> -> memref<1x128xi32, #tpu.memory_space<vmem>>
    %dma_start3A_26 = tpu.memref_squeeze %dma_start3A_25 : memref<1x128xi32, #tpu.memory_space<vmem>> -> memref<128xi32, #tpu.memory_space<vmem>>
    %dma_start3A_27 = arith.constant 0 : i32
    %dma_start3A_28 = arith.constant 0 : i32
    %dma_start3A_29 = tpu.memref_slice %arg2[%dma_start3A_27, %dma_start3A_28] : memref<32776x16xf32, #tpu.memory_space<hbm>> -> memref<32776x16xf32, #tpu.memory_space<hbm>>
    tpu.enqueue_indirect_dma source(%dma_start3A_29 : memref<32776x16xf32, #tpu.memory_space<hbm>>) target(%dma_start3A_23 : memref<128x16xf32, #tpu.memory_space<vmem>>) offsets(%dma_start3A_26 : memref<128xi32, #tpu.memory_space<vmem>>) semaphore(%arg7 : memref<!tpu.dma_semaphore, #tpu.memory_space<semaphore_mem>>)
    %dma_start3A_30 = arith.constant 3 : i32
    %dma_start3A_31 = arith.constant 384 : i32
    %dma_start3A_32 = arith.constant 0 : i32
    %dma_start3A_33 = tpu.memref_slice %arg6[%dma_start3A_31, %dma_start3A_32] : memref<1024x16xf32, #tpu.memory_space<vmem>> -> memref<128x16xf32, #tpu.memory_space<vmem>>
    %dma_start3A_34 = arith.constant 0 : i32
    %dma_start3A_35 = tpu.memref_slice %arg5[%dma_start3A_30, %dma_start3A_34] : memref<8x128xi32, #tpu.memory_space<vmem>> -> memref<1x128xi32, #tpu.memory_space<vmem>>
    %dma_start3A_36 = tpu.memref_squeeze %dma_start3A_35 : memref<1x128xi32, #tpu.memory_space<vmem>> -> memref<128xi32, #tpu.memory_space<vmem>>
    %dma_start3A_37 = arith.constant 0 : i32
    %dma_start3A_38 = arith.constant 0 : i32
    %dma_start3A_39 = tpu.memref_slice %arg2[%dma_start3A_37, %dma_start3A_38] : memref<32776x16xf32, #tpu.memory_space<hbm>> -> memref<32776x16xf32, #tpu.memory_space<hbm>>
    tpu.enqueue_indirect_dma source(%dma_start3A_39 : memref<32776x16xf32, #tpu.memory_space<hbm>>) target(%dma_start3A_33 : memref<128x16xf32, #tpu.memory_space<vmem>>) offsets(%dma_start3A_36 : memref<128xi32, #tpu.memory_space<vmem>>) semaphore(%arg7 : memref<!tpu.dma_semaphore, #tpu.memory_space<semaphore_mem>>)
    %dma_start3A_40 = arith.constant 4 : i32
    %dma_start3A_41 = arith.constant 512 : i32
    %dma_start3A_42 = arith.constant 0 : i32
    %dma_start3A_43 = tpu.memref_slice %arg6[%dma_start3A_41, %dma_start3A_42] : memref<1024x16xf32, #tpu.memory_space<vmem>> -> memref<128x16xf32, #tpu.memory_space<vmem>>
    %dma_start3A_44 = arith.constant 0 : i32
    %dma_start3A_45 = tpu.memref_slice %arg5[%dma_start3A_40, %dma_start3A_44] : memref<8x128xi32, #tpu.memory_space<vmem>> -> memref<1x128xi32, #tpu.memory_space<vmem>>
    %dma_start3A_46 = tpu.memref_squeeze %dma_start3A_45 : memref<1x128xi32, #tpu.memory_space<vmem>> -> memref<128xi32, #tpu.memory_space<vmem>>
    %dma_start3A_47 = arith.constant 0 : i32
    %dma_start3A_48 = arith.constant 0 : i32
    %dma_start3A_49 = tpu.memref_slice %arg2[%dma_start3A_47, %dma_start3A_48] : memref<32776x16xf32, #tpu.memory_space<hbm>> -> memref<32776x16xf32, #tpu.memory_space<hbm>>
    tpu.enqueue_indirect_dma source(%dma_start3A_49 : memref<32776x16xf32, #tpu.memory_space<hbm>>) target(%dma_start3A_43 : memref<128x16xf32, #tpu.memory_space<vmem>>) offsets(%dma_start3A_46 : memref<128xi32, #tpu.memory_space<vmem>>) semaphore(%arg7 : memref<!tpu.dma_semaphore, #tpu.memory_space<semaphore_mem>>)
    %dma_start3A_50 = arith.constant 5 : i32
    %dma_start3A_51 = arith.constant 640 : i32
    %dma_start3A_52 = arith.constant 0 : i32
    %dma_start3A_53 = tpu.memref_slice %arg6[%dma_start3A_51, %dma_start3A_52] : memref<1024x16xf32, #tpu.memory_space<vmem>> -> memref<128x16xf32, #tpu.memory_space<vmem>>
    %dma_start3A_54 = arith.constant 0 : i32
    %dma_start3A_55 = tpu.memref_slice %arg5[%dma_start3A_50, %dma_start3A_54] : memref<8x128xi32, #tpu.memory_space<vmem>> -> memref<1x128xi32, #tpu.memory_space<vmem>>
    %dma_start3A_56 = tpu.memref_squeeze %dma_start3A_55 : memref<1x128xi32, #tpu.memory_space<vmem>> -> memref<128xi32, #tpu.memory_space<vmem>>
    %dma_start3A_57 = arith.constant 0 : i32
    %dma_start3A_58 = arith.constant 0 : i32
    %dma_start3A_59 = tpu.memref_slice %arg2[%dma_start3A_57, %dma_start3A_58] : memref<32776x16xf32, #tpu.memory_space<hbm>> -> memref<32776x16xf32, #tpu.memory_space<hbm>>
    tpu.enqueue_indirect_dma source(%dma_start3A_59 : memref<32776x16xf32, #tpu.memory_space<hbm>>) target(%dma_start3A_53 : memref<128x16xf32, #tpu.memory_space<vmem>>) offsets(%dma_start3A_56 : memref<128xi32, #tpu.memory_space<vmem>>) semaphore(%arg7 : memref<!tpu.dma_semaphore, #tpu.memory_space<semaphore_mem>>)
    %dma_start3A_60 = arith.constant 6 : i32
    %dma_start3A_61 = arith.constant 768 : i32
    %dma_start3A_62 = arith.constant 0 : i32
    %dma_start3A_63 = tpu.memref_slice %arg6[%dma_start3A_61, %dma_start3A_62] : memref<1024x16xf32, #tpu.memory_space<vmem>> -> memref<128x16xf32, #tpu.memory_space<vmem>>
    %dma_start3A_64 = arith.constant 0 : i32
    %dma_start3A_65 = tpu.memref_slice %arg5[%dma_start3A_60, %dma_start3A_64] : memref<8x128xi32, #tpu.memory_space<vmem>> -> memref<1x128xi32, #tpu.memory_space<vmem>>
    %dma_start3A_66 = tpu.memref_squeeze %dma_start3A_65 : memref<1x128xi32, #tpu.memory_space<vmem>> -> memref<128xi32, #tpu.memory_space<vmem>>
    %dma_start3A_67 = arith.constant 0 : i32
    %dma_start3A_68 = arith.constant 0 : i32
    %dma_start3A_69 = tpu.memref_slice %arg2[%dma_start3A_67, %dma_start3A_68] : memref<32776x16xf32, #tpu.memory_space<hbm>> -> memref<32776x16xf32, #tpu.memory_space<hbm>>
    tpu.enqueue_indirect_dma source(%dma_start3A_69 : memref<32776x16xf32, #tpu.memory_space<hbm>>) target(%dma_start3A_63 : memref<128x16xf32, #tpu.memory_space<vmem>>) offsets(%dma_start3A_66 : memref<128xi32, #tpu.memory_space<vmem>>) semaphore(%arg7 : memref<!tpu.dma_semaphore, #tpu.memory_space<semaphore_mem>>)
    %dma_start3A_70 = arith.constant 7 : i32
    %dma_start3A_71 = arith.constant 896 : i32
    %dma_start3A_72 = arith.constant 0 : i32
    %dma_start3A_73 = tpu.memref_slice %arg6[%dma_start3A_71, %dma_start3A_72] : memref<1024x16xf32, #tpu.memory_space<vmem>> -> memref<128x16xf32, #tpu.memory_space<vmem>>
    %dma_start3A_74 = arith.constant 0 : i32
    %dma_start3A_75 = tpu.memref_slice %arg5[%dma_start3A_70, %dma_start3A_74] : memref<8x128xi32, #tpu.memory_space<vmem>> -> memref<1x128xi32, #tpu.memory_space<vmem>>
    %dma_start3A_76 = tpu.memref_squeeze %dma_start3A_75 : memref<1x128xi32, #tpu.memory_space<vmem>> -> memref<128xi32, #tpu.memory_space<vmem>>
    %dma_start3A_77 = arith.constant 0 : i32
    %dma_start3A_78 = arith.constant 0 : i32
    %dma_start3A_79 = tpu.memref_slice %arg2[%dma_start3A_77, %dma_start3A_78] : memref<32776x16xf32, #tpu.memory_space<hbm>> -> memref<32776x16xf32, #tpu.memory_space<hbm>>
    tpu.enqueue_indirect_dma source(%dma_start3A_79 : memref<32776x16xf32, #tpu.memory_space<hbm>>) target(%dma_start3A_73 : memref<128x16xf32, #tpu.memory_space<vmem>>) offsets(%dma_start3A_76 : memref<128xi32, #tpu.memory_space<vmem>>) semaphore(%arg7 : memref<!tpu.dma_semaphore, #tpu.memory_space<semaphore_mem>>)
    %dma_wait3A = arith.constant 0 : i32
    %dma_wait3A_80 = arith.constant 0 : i32
    %dma_wait3A_81 = arith.constant 0 : i32
    %dma_wait3A_82 = tpu.memref_slice %arg6[%dma_wait3A_80, %dma_wait3A_81] : memref<1024x16xf32, #tpu.memory_space<vmem>> -> memref<128x16xf32, #tpu.memory_space<vmem>>
    %dma_wait3A_83 = arith.constant 0 : i32
    %dma_wait3A_84 = tpu.memref_slice %arg5[%dma_wait3A, %dma_wait3A_83] : memref<8x128xi32, #tpu.memory_space<vmem>> -> memref<1x128xi32, #tpu.memory_space<vmem>>
    %dma_wait3A_85 = tpu.memref_squeeze %dma_wait3A_84 : memref<1x128xi32, #tpu.memory_space<vmem>> -> memref<128xi32, #tpu.memory_space<vmem>>
    %dma_wait3A_86 = arith.constant 0 : i32
    %dma_wait3A_87 = arith.constant 0 : i32
    %dma_wait3A_88 = tpu.memref_slice %arg2[%dma_wait3A_86, %dma_wait3A_87] : memref<32776x16xf32, #tpu.memory_space<hbm>> -> memref<32776x16xf32, #tpu.memory_space<hbm>>
    tpu.wait_indirect_dma semaphore(%arg7 : memref<!tpu.dma_semaphore, #tpu.memory_space<semaphore_mem>>) src(%dma_wait3A_88 : memref<32776x16xf32, #tpu.memory_space<hbm>>) dst(%dma_wait3A_82 : memref<128x16xf32, #tpu.memory_space<vmem>>)
    %dma_wait3A_89 = arith.constant 1 : i32
    %dma_wait3A_90 = arith.constant 128 : i32
    %dma_wait3A_91 = arith.constant 0 : i32
    %dma_wait3A_92 = tpu.memref_slice %arg6[%dma_wait3A_90, %dma_wait3A_91] : memref<1024x16xf32, #tpu.memory_space<vmem>> -> memref<128x16xf32, #tpu.memory_space<vmem>>
    %dma_wait3A_93 = arith.constant 0 : i32
    %dma_wait3A_94 = tpu.memref_slice %arg5[%dma_wait3A_89, %dma_wait3A_93] : memref<8x128xi32, #tpu.memory_space<vmem>> -> memref<1x128xi32, #tpu.memory_space<vmem>>
    %dma_wait3A_95 = tpu.memref_squeeze %dma_wait3A_94 : memref<1x128xi32, #tpu.memory_space<vmem>> -> memref<128xi32, #tpu.memory_space<vmem>>
    %dma_wait3A_96 = arith.constant 0 : i32
    %dma_wait3A_97 = arith.constant 0 : i32
    %dma_wait3A_98 = tpu.memref_slice %arg2[%dma_wait3A_96, %dma_wait3A_97] : memref<32776x16xf32, #tpu.memory_space<hbm>> -> memref<32776x16xf32, #tpu.memory_space<hbm>>
    tpu.wait_indirect_dma semaphore(%arg7 : memref<!tpu.dma_semaphore, #tpu.memory_space<semaphore_mem>>) src(%dma_wait3A_98 : memref<32776x16xf32, #tpu.memory_space<hbm>>) dst(%dma_wait3A_92 : memref<128x16xf32, #tpu.memory_space<vmem>>)
    %dma_wait3A_99 = arith.constant 2 : i32
    %dma_wait3A_100 = arith.constant 256 : i32
    %dma_wait3A_101 = arith.constant 0 : i32
    %dma_wait3A_102 = tpu.memref_slice %arg6[%dma_wait3A_100, %dma_wait3A_101] : memref<1024x16xf32, #tpu.memory_space<vmem>> -> memref<128x16xf32, #tpu.memory_space<vmem>>
    %dma_wait3A_103 = arith.constant 0 : i32
    %dma_wait3A_104 = tpu.memref_slice %arg5[%dma_wait3A_99, %dma_wait3A_103] : memref<8x128xi32, #tpu.memory_space<vmem>> -> memref<1x128xi32, #tpu.memory_space<vmem>>
    %dma_wait3A_105 = tpu.memref_squeeze %dma_wait3A_104 : memref<1x128xi32, #tpu.memory_space<vmem>> -> memref<128xi32, #tpu.memory_space<vmem>>
    %dma_wait3A_106 = arith.constant 0 : i32
    %dma_wait3A_107 = arith.constant 0 : i32
    %dma_wait3A_108 = tpu.memref_slice %arg2[%dma_wait3A_106, %dma_wait3A_107] : memref<32776x16xf32, #tpu.memory_space<hbm>> -> memref<32776x16xf32, #tpu.memory_space<hbm>>
    tpu.wait_indirect_dma semaphore(%arg7 : memref<!tpu.dma_semaphore, #tpu.memory_space<semaphore_mem>>) src(%dma_wait3A_108 : memref<32776x16xf32, #tpu.memory_space<hbm>>) dst(%dma_wait3A_102 : memref<128x16xf32, #tpu.memory_space<vmem>>)
    %dma_wait3A_109 = arith.constant 3 : i32
    %dma_wait3A_110 = arith.constant 384 : i32
    %dma_wait3A_111 = arith.constant 0 : i32
    %dma_wait3A_112 = tpu.memref_slice %arg6[%dma_wait3A_110, %dma_wait3A_111] : memref<1024x16xf32, #tpu.memory_space<vmem>> -> memref<128x16xf32, #tpu.memory_space<vmem>>
    %dma_wait3A_113 = arith.constant 0 : i32
    %dma_wait3A_114 = tpu.memref_slice %arg5[%dma_wait3A_109, %dma_wait3A_113] : memref<8x128xi32, #tpu.memory_space<vmem>> -> memref<1x128xi32, #tpu.memory_space<vmem>>
    %dma_wait3A_115 = tpu.memref_squeeze %dma_wait3A_114 : memref<1x128xi32, #tpu.memory_space<vmem>> -> memref<128xi32, #tpu.memory_space<vmem>>
    %dma_wait3A_116 = arith.constant 0 : i32
    %dma_wait3A_117 = arith.constant 0 : i32
    %dma_wait3A_118 = tpu.memref_slice %arg2[%dma_wait3A_116, %dma_wait3A_117] : memref<32776x16xf32, #tpu.memory_space<hbm>> -> memref<32776x16xf32, #tpu.memory_space<hbm>>
    tpu.wait_indirect_dma semaphore(%arg7 : memref<!tpu.dma_semaphore, #tpu.memory_space<semaphore_mem>>) src(%dma_wait3A_118 : memref<32776x16xf32, #tpu.memory_space<hbm>>) dst(%dma_wait3A_112 : memref<128x16xf32, #tpu.memory_space<vmem>>)
    %dma_wait3A_119 = arith.constant 4 : i32
    %dma_wait3A_120 = arith.constant 512 : i32
    %dma_wait3A_121 = arith.constant 0 : i32
    %dma_wait3A_122 = tpu.memref_slice %arg6[%dma_wait3A_120, %dma_wait3A_121] : memref<1024x16xf32, #tpu.memory_space<vmem>> -> memref<128x16xf32, #tpu.memory_space<vmem>>
    %dma_wait3A_123 = arith.constant 0 : i32
    %dma_wait3A_124 = tpu.memref_slice %arg5[%dma_wait3A_119, %dma_wait3A_123] : memref<8x128xi32, #tpu.memory_space<vmem>> -> memref<1x128xi32, #tpu.memory_space<vmem>>
    %dma_wait3A_125 = tpu.memref_squeeze %dma_wait3A_124 : memref<1x128xi32, #tpu.memory_space<vmem>> -> memref<128xi32, #tpu.memory_space<vmem>>
    %dma_wait3A_126 = arith.constant 0 : i32
    %dma_wait3A_127 = arith.constant 0 : i32
    %dma_wait3A_128 = tpu.memref_slice %arg2[%dma_wait3A_126, %dma_wait3A_127] : memref<32776x16xf32, #tpu.memory_space<hbm>> -> memref<32776x16xf32, #tpu.memory_space<hbm>>
    tpu.wait_indirect_dma semaphore(%arg7 : memref<!tpu.dma_semaphore, #tpu.memory_space<semaphore_mem>>) src(%dma_wait3A_128 : memref<32776x16xf32, #tpu.memory_space<hbm>>) dst(%dma_wait3A_122 : memref<128x16xf32, #tpu.memory_space<vmem>>)
    %dma_wait3A_129 = arith.constant 5 : i32
    %dma_wait3A_130 = arith.constant 640 : i32
    %dma_wait3A_131 = arith.constant 0 : i32
    %dma_wait3A_132 = tpu.memref_slice %arg6[%dma_wait3A_130, %dma_wait3A_131] : memref<1024x16xf32, #tpu.memory_space<vmem>> -> memref<128x16xf32, #tpu.memory_space<vmem>>
    %dma_wait3A_133 = arith.constant 0 : i32
    %dma_wait3A_134 = tpu.memref_slice %arg5[%dma_wait3A_129, %dma_wait3A_133] : memref<8x128xi32, #tpu.memory_space<vmem>> -> memref<1x128xi32, #tpu.memory_space<vmem>>
    %dma_wait3A_135 = tpu.memref_squeeze %dma_wait3A_134 : memref<1x128xi32, #tpu.memory_space<vmem>> -> memref<128xi32, #tpu.memory_space<vmem>>
    %dma_wait3A_136 = arith.constant 0 : i32
    %dma_wait3A_137 = arith.constant 0 : i32
    %dma_wait3A_138 = tpu.memref_slice %arg2[%dma_wait3A_136, %dma_wait3A_137] : memref<32776x16xf32, #tpu.memory_space<hbm>> -> memref<32776x16xf32, #tpu.memory_space<hbm>>
    tpu.wait_indirect_dma semaphore(%arg7 : memref<!tpu.dma_semaphore, #tpu.memory_space<semaphore_mem>>) src(%dma_wait3A_138 : memref<32776x16xf32, #tpu.memory_space<hbm>>) dst(%dma_wait3A_132 : memref<128x16xf32, #tpu.memory_space<vmem>>)
    %dma_wait3A_139 = arith.constant 6 : i32
    %dma_wait3A_140 = arith.constant 768 : i32
    %dma_wait3A_141 = arith.constant 0 : i32
    %dma_wait3A_142 = tpu.memref_slice %arg6[%dma_wait3A_140, %dma_wait3A_141] : memref<1024x16xf32, #tpu.memory_space<vmem>> -> memref<128x16xf32, #tpu.memory_space<vmem>>
    %dma_wait3A_143 = arith.constant 0 : i32
    %dma_wait3A_144 = tpu.memref_slice %arg5[%dma_wait3A_139, %dma_wait3A_143] : memref<8x128xi32, #tpu.memory_space<vmem>> -> memref<1x128xi32, #tpu.memory_space<vmem>>
    %dma_wait3A_145 = tpu.memref_squeeze %dma_wait3A_144 : memref<1x128xi32, #tpu.memory_space<vmem>> -> memref<128xi32, #tpu.memory_space<vmem>>
    %dma_wait3A_146 = arith.constant 0 : i32
    %dma_wait3A_147 = arith.constant 0 : i32
    %dma_wait3A_148 = tpu.memref_slice %arg2[%dma_wait3A_146, %dma_wait3A_147] : memref<32776x16xf32, #tpu.memory_space<hbm>> -> memref<32776x16xf32, #tpu.memory_space<hbm>>
    tpu.wait_indirect_dma semaphore(%arg7 : memref<!tpu.dma_semaphore, #tpu.memory_space<semaphore_mem>>) src(%dma_wait3A_148 : memref<32776x16xf32, #tpu.memory_space<hbm>>) dst(%dma_wait3A_142 : memref<128x16xf32, #tpu.memory_space<vmem>>)
    %dma_wait3A_149 = arith.constant 7 : i32
    %dma_wait3A_150 = arith.constant 896 : i32
    %dma_wait3A_151 = arith.constant 0 : i32
    %dma_wait3A_152 = tpu.memref_slice %arg6[%dma_wait3A_150, %dma_wait3A_151] : memref<1024x16xf32, #tpu.memory_space<vmem>> -> memref<128x16xf32, #tpu.memory_space<vmem>>
    %dma_wait3A_153 = arith.constant 0 : i32
    %dma_wait3A_154 = tpu.memref_slice %arg5[%dma_wait3A_149, %dma_wait3A_153] : memref<8x128xi32, #tpu.memory_space<vmem>> -> memref<1x128xi32, #tpu.memory_space<vmem>>
    %dma_wait3A_155 = tpu.memref_squeeze %dma_wait3A_154 : memref<1x128xi32, #tpu.memory_space<vmem>> -> memref<128xi32, #tpu.memory_space<vmem>>
    %dma_wait3A_156 = arith.constant 0 : i32
    %dma_wait3A_157 = arith.constant 0 : i32
    %dma_wait3A_158 = tpu.memref_slice %arg2[%dma_wait3A_156, %dma_wait3A_157] : memref<32776x16xf32, #tpu.memory_space<hbm>> -> memref<32776x16xf32, #tpu.memory_space<hbm>>
    tpu.wait_indirect_dma semaphore(%arg7 : memref<!tpu.dma_semaphore, #tpu.memory_space<semaphore_mem>>) src(%dma_wait3A_158 : memref<32776x16xf32, #tpu.memory_space<hbm>>) dst(%dma_wait3A_152 : memref<128x16xf32, #tpu.memory_space<vmem>>)
    %mul3A_159 = arith.constant 1024 : i32
    %mul3A_160 = arith.muli %add3A, %mul3A_159 : i32
    "tpu.region"() ({
      %run_scoped3A = tpu.sem_alloc : memref<!tpu.dma_semaphore, #tpu.memory_space<semaphore_mem>>
      %dma_start3A_161 = arith.constant 0 : i32
      %dma_start3A_162 = tpu.memref_slice %arg4[%mul3A_160, %dma_start3A_161] : memref<32768x16xf32, #tpu.memory_space<hbm>> -> memref<1024x16xf32, #tpu.memory_space<hbm>>
      %dma_start3A_163 = arith.constant 0 : i32
      %dma_start3A_164 = tpu.memref_slice %arg4[%mul3A_160, %dma_start3A_163] : memref<32768x16xf32, #tpu.memory_space<hbm>> -> memref<1024x16xf32, #tpu.memory_space<hbm>>
      tpu.enqueue_dma source(%arg6 : memref<1024x16xf32, #tpu.memory_space<vmem>>) target(%dma_start3A_164 : memref<1024x16xf32, #tpu.memory_space<hbm>>) target_semaphore(%run_scoped3A : memref<!tpu.dma_semaphore, #tpu.memory_space<semaphore_mem>>)
      %dma_wait3A_165 = arith.constant 0 : i32
      %dma_wait3A_166 = tpu.memref_slice %arg4[%mul3A_160, %dma_wait3A_165] : memref<32768x16xf32, #tpu.memory_space<hbm>> -> memref<1024x16xf32, #tpu.memory_space<hbm>>
      %dma_wait3A_167 = arith.constant 0 : i32
      %dma_wait3A_168 = tpu.memref_slice %arg4[%mul3A_160, %dma_wait3A_167] : memref<32768x16xf32, #tpu.memory_space<hbm>> -> memref<1024x16xf32, #tpu.memory_space<hbm>>
      tpu.wait_dma2 semaphore(%run_scoped3A : memref<!tpu.dma_semaphore, #tpu.memory_space<semaphore_mem>>) src(%arg6 : memref<1024x16xf32, #tpu.memory_space<vmem>>) dst(%dma_wait3A_168 : memref<1024x16xf32, #tpu.memory_space<hbm>>)
      tpu.yield
    }) : () -> ()
    return
  }
}

module attributes {stable_mosaic.version = 14 : i64} {
  func.func @_topk_body(%arg0: i32, %arg1: i32, %arg2: memref<1x512x2xf32, #tpu.memory_space<vmem>>, %arg3: memref<1x2x4096xf32, #tpu.memory_space<vmem>>, %arg4: memref<1x512x4xi32, #tpu.memory_space<vmem>>, %arg5: memref<1x512x4xi32, #tpu.memory_space<vmem>>) attributes {dimension_semantics = [#tpu.dimension_semantics<arbitrary>, #tpu.dimension_semantics<arbitrary>], iteration_bounds = array<i64: 8, 2>, scalar_prefetch = 0 : i64, scratch_operands = 0 : i64, tpu.core_type = #tpu.core_type<tc>, window_params = [{transform_indices = @transform_0, window_bounds = array<i64: 1, 512, 2>}, {transform_indices = @transform_1, window_bounds = array<i64: 1, 2, 4096>}, {transform_indices = @transform_2, window_bounds = array<i64: 1, 512, 4>}, {transform_indices = @transform_3, window_bounds = array<i64: 1, 512, 4>}]} {
    %get3A = arith.constant 0 : index
    %get3A_0 = arith.constant 0 : index
    %get3A_1 = arith.constant 0 : index
    %get3A_2 = vector.load %arg2[%get3A, %get3A_0, %get3A_1] : memref<1x512x2xf32, #tpu.memory_space<vmem>>, vector<1x512x1xf32>
    %get3A_3 = vector.shape_cast %get3A_2 : vector<1x512x1xf32> to vector<512x1xf32>
    %get3A_4 = arith.constant 0 : index
    %get3A_5 = arith.constant 0 : index
    %get3A_6 = arith.constant 1 : index
    %get3A_7 = vector.load %arg2[%get3A_4, %get3A_5, %get3A_6] : memref<1x512x2xf32, #tpu.memory_space<vmem>>, vector<1x512x1xf32>
    %get3A_8 = vector.shape_cast %get3A_7 : vector<1x512x1xf32> to vector<512x1xf32>
    %get3A_9 = arith.constant 0 : index
    %get3A_10 = arith.constant 0 : index
    %get3A_11 = arith.constant 0 : index
    %get3A_12 = vector.load %arg3[%get3A_9, %get3A_10, %get3A_11] : memref<1x2x4096xf32, #tpu.memory_space<vmem>>, vector<1x1x4096xf32>
    %get3A_13 = vector.shape_cast %get3A_12 : vector<1x1x4096xf32> to vector<1x4096xf32>
    %get3A_14 = arith.constant 0 : index
    %get3A_15 = arith.constant 1 : index
    %get3A_16 = arith.constant 0 : index
    %get3A_17 = vector.load %arg3[%get3A_14, %get3A_15, %get3A_16] : memref<1x2x4096xf32, #tpu.memory_space<vmem>>, vector<1x1x4096xf32>
    %get3A_18 = vector.shape_cast %get3A_17 : vector<1x1x4096xf32> to vector<1x4096xf32>
    %sub3A = vector.broadcast %get3A_3 : vector<512x1xf32> to vector<512x4096xf32>
    %sub3A_19 = vector.broadcast %get3A_13 : vector<1x4096xf32> to vector<512x4096xf32>
    %sub3A_20 = arith.subf %sub3A, %sub3A_19 : vector<512x4096xf32>
    %sub3A_21 = vector.broadcast %get3A_8 : vector<512x1xf32> to vector<512x4096xf32>
    %sub3A_22 = vector.broadcast %get3A_18 : vector<1x4096xf32> to vector<512x4096xf32>
    %sub3A_23 = arith.subf %sub3A_21, %sub3A_22 : vector<512x4096xf32>
    %mul3A = arith.mulf %sub3A_20, %sub3A_20 : vector<512x4096xf32>
    %mul3A_24 = arith.mulf %sub3A_23, %sub3A_23 : vector<512x4096xf32>
    %add3A = arith.addf %mul3A, %mul3A_24 : vector<512x4096xf32>
    %sqrt3A = math.sqrt %add3A : vector<512x4096xf32>
    %iota3A = tpu.iota {dimensions = array<i32: 1>} : vector<512x4096xi32>
    %iota3A_25 = tpu.iota {dimensions = array<i32: 1>} : vector<512x512xi32>
    %convert_element_type3A = arith.sitofp %iota3A_25 : vector<512x512xi32> to vector<512x512xf32>
    %mul3A_26 = arith.constant 4097 : i32
    %mul3A_27 = arith.muli %arg0, %mul3A_26 : i32
    %slice3A = vector.extract_strided_slice %sqrt3A {offsets = [0, 0], sizes = [512, 512], strides = [1, 1]} : vector<512x4096xf32> to vector<512x512xf32>
    %broadcast_in_dim3A = arith.constant 0.000000e+00 : f32
    %broadcast_in_dim3A_28 = vector.broadcast %broadcast_in_dim3A : f32 to vector<512x512xf32>
    %slice3A_29 = vector.extract_strided_slice %sqrt3A {offsets = [0, 512], sizes = [512, 512], strides = [1, 1]} : vector<512x4096xf32> to vector<512x512xf32>
    %lt3A = arith.cmpf olt, %slice3A_29, %slice3A : vector<512x512xf32>
    %min3A = arith.minimumf %slice3A, %slice3A_29 : vector<512x512xf32>
    %jit3A = arith.constant 1.000000e+00 : f32
    %broadcast_in_dim3A_30 = vector.broadcast %jit3A : f32 to vector<512x512xf32>
    %select_n3A = arith.select %lt3A, %broadcast_in_dim3A_30, %broadcast_in_dim3A_28 : vector<512x512xi1>, vector<512x512xf32>
    %slice3A_31 = vector.extract_strided_slice %sqrt3A {offsets = [0, 1024], sizes = [512, 512], strides = [1, 1]} : vector<512x4096xf32> to vector<512x512xf32>
    %lt3A_32 = arith.cmpf olt, %slice3A_31, %min3A : vector<512x512xf32>
    %min3A_33 = arith.minimumf %min3A, %slice3A_31 : vector<512x512xf32>
    %jit3A_34 = arith.constant 2.000000e+00 : f32
    %broadcast_in_dim3A_35 = vector.broadcast %jit3A_34 : f32 to vector<512x512xf32>
    %select_n3A_36 = arith.select %lt3A_32, %broadcast_in_dim3A_35, %select_n3A : vector<512x512xi1>, vector<512x512xf32>
    %slice3A_37 = vector.extract_strided_slice %sqrt3A {offsets = [0, 1536], sizes = [512, 512], strides = [1, 1]} : vector<512x4096xf32> to vector<512x512xf32>
    %lt3A_38 = arith.cmpf olt, %slice3A_37, %min3A_33 : vector<512x512xf32>
    %min3A_39 = arith.minimumf %min3A_33, %slice3A_37 : vector<512x512xf32>
    %jit3A_40 = arith.constant 3.000000e+00 : f32
    %broadcast_in_dim3A_41 = vector.broadcast %jit3A_40 : f32 to vector<512x512xf32>
    %select_n3A_42 = arith.select %lt3A_38, %broadcast_in_dim3A_41, %select_n3A_36 : vector<512x512xi1>, vector<512x512xf32>
    %slice3A_43 = vector.extract_strided_slice %sqrt3A {offsets = [0, 2048], sizes = [512, 512], strides = [1, 1]} : vector<512x4096xf32> to vector<512x512xf32>
    %lt3A_44 = arith.cmpf olt, %slice3A_43, %min3A_39 : vector<512x512xf32>
    %min3A_45 = arith.minimumf %min3A_39, %slice3A_43 : vector<512x512xf32>
    %jit3A_46 = arith.constant 4.000000e+00 : f32
    %broadcast_in_dim3A_47 = vector.broadcast %jit3A_46 : f32 to vector<512x512xf32>
    %select_n3A_48 = arith.select %lt3A_44, %broadcast_in_dim3A_47, %select_n3A_42 : vector<512x512xi1>, vector<512x512xf32>
    %slice3A_49 = vector.extract_strided_slice %sqrt3A {offsets = [0, 2560], sizes = [512, 512], strides = [1, 1]} : vector<512x4096xf32> to vector<512x512xf32>
    %lt3A_50 = arith.cmpf olt, %slice3A_49, %min3A_45 : vector<512x512xf32>
    %min3A_51 = arith.minimumf %min3A_45, %slice3A_49 : vector<512x512xf32>
    %jit3A_52 = arith.constant 5.000000e+00 : f32
    %broadcast_in_dim3A_53 = vector.broadcast %jit3A_52 : f32 to vector<512x512xf32>
    %select_n3A_54 = arith.select %lt3A_50, %broadcast_in_dim3A_53, %select_n3A_48 : vector<512x512xi1>, vector<512x512xf32>
    %slice3A_55 = vector.extract_strided_slice %sqrt3A {offsets = [0, 3072], sizes = [512, 512], strides = [1, 1]} : vector<512x4096xf32> to vector<512x512xf32>
    %lt3A_56 = arith.cmpf olt, %slice3A_55, %min3A_51 : vector<512x512xf32>
    %min3A_57 = arith.minimumf %min3A_51, %slice3A_55 : vector<512x512xf32>
    %jit3A_58 = arith.constant 6.000000e+00 : f32
    %broadcast_in_dim3A_59 = vector.broadcast %jit3A_58 : f32 to vector<512x512xf32>
    %select_n3A_60 = arith.select %lt3A_56, %broadcast_in_dim3A_59, %select_n3A_54 : vector<512x512xi1>, vector<512x512xf32>
    %slice3A_61 = vector.extract_strided_slice %sqrt3A {offsets = [0, 3584], sizes = [512, 512], strides = [1, 1]} : vector<512x4096xf32> to vector<512x512xf32>
    %lt3A_62 = arith.cmpf olt, %slice3A_61, %min3A_57 : vector<512x512xf32>
    %min3A_63 = arith.minimumf %min3A_57, %slice3A_61 : vector<512x512xf32>
    %jit3A_64 = arith.constant 7.000000e+00 : f32
    %broadcast_in_dim3A_65 = vector.broadcast %jit3A_64 : f32 to vector<512x512xf32>
    %select_n3A_66 = arith.select %lt3A_62, %broadcast_in_dim3A_65, %select_n3A_60 : vector<512x512xi1>, vector<512x512xf32>
    %reduce_min3A = arith.constant dense<0x7F800000> : vector<512xf32>
    %reduce_min3A_67 = vector.multi_reduction <minimumf>, %min3A_63, %reduce_min3A [1] : vector<512x512xf32> to vector<512xf32>
    %broadcast_in_dim3A_68 = vector.shape_cast %reduce_min3A_67 : vector<512xf32> to vector<512x1xf32>
    %mul3A_69 = arith.constant 5.120000e+02 : f32
    %mul3A_70 = vector.broadcast %mul3A_69 : f32 to vector<512x512xf32>
    %mul3A_71 = arith.mulf %select_n3A_66, %mul3A_70 : vector<512x512xf32>
    %add3A_72 = arith.addf %mul3A_71, %convert_element_type3A : vector<512x512xf32>
    %eq3A = vector.broadcast %broadcast_in_dim3A_68 : vector<512x1xf32> to vector<512x512xf32>
    %eq3A_73 = arith.cmpf oeq, %min3A_63, %eq3A : vector<512x512xf32>
    %jit3A_74 = arith.constant 8.192000e+03 : f32
    %broadcast_in_dim3A_75 = vector.broadcast %jit3A_74 : f32 to vector<512x512xf32>
    %select_n3A_76 = arith.select %eq3A_73, %add3A_72, %broadcast_in_dim3A_75 : vector<512x512xi1>, vector<512x512xf32>
    %reduce_min3A_77 = arith.constant dense<0x7F800000> : vector<512xf32>
    %reduce_min3A_78 = vector.multi_reduction <minimumf>, %select_n3A_76, %reduce_min3A_77 [1] : vector<512x512xf32> to vector<512xf32>
    %broadcast_in_dim3A_79 = vector.shape_cast %reduce_min3A_78 : vector<512xf32> to vector<512x1xf32>
    %convert_element_type3A_80 = arith.fptosi %broadcast_in_dim3A_79 : vector<512x1xf32> to vector<512x1xi32>
    %lt3A_81 = arith.constant 2.000000e+00 : f32
    %lt3A_82 = vector.broadcast %lt3A_81 : f32 to vector<512x1xf32>
    %lt3A_83 = arith.cmpf olt, %broadcast_in_dim3A_68, %lt3A_82 : vector<512x1xf32>
    %jit3A_84 = arith.constant 4096 : i32
    %broadcast_in_dim3A_85 = vector.broadcast %jit3A_84 : i32 to vector<512x1xi32>
    %select_n3A_86 = arith.select %lt3A_83, %convert_element_type3A_80, %broadcast_in_dim3A_85 : vector<512x1xi1>, vector<512x1xi32>
    %add3A_87 = vector.broadcast %mul3A_27 : i32 to vector<512x1xi32>
    %add3A_88 = arith.addi %add3A_87, %select_n3A_86 : vector<512x1xi32>
    %convert_element_type3A_89 = arith.extui %lt3A_83 : vector<512x1xi1> to vector<512x1xi32>
    %eq3A_90 = vector.broadcast %convert_element_type3A_80 : vector<512x1xi32> to vector<512x4096xi32>
    %eq3A_91 = arith.cmpi eq, %iota3A, %eq3A_90 : vector<512x4096xi32>
    %jit3A_92 = arith.constant 0x7F800000 : f32
    %broadcast_in_dim3A_93 = vector.broadcast %jit3A_92 : f32 to vector<512x4096xf32>
    %select_n3A_94 = arith.select %eq3A_91, %broadcast_in_dim3A_93, %sqrt3A : vector<512x4096xi1>, vector<512x4096xf32>
    %slice3A_95 = vector.extract_strided_slice %select_n3A_94 {offsets = [0, 0], sizes = [512, 512], strides = [1, 1]} : vector<512x4096xf32> to vector<512x512xf32>
    %broadcast_in_dim3A_96 = arith.constant 0.000000e+00 : f32
    %broadcast_in_dim3A_97 = vector.broadcast %broadcast_in_dim3A_96 : f32 to vector<512x512xf32>
    %slice3A_98 = vector.extract_strided_slice %select_n3A_94 {offsets = [0, 512], sizes = [512, 512], strides = [1, 1]} : vector<512x4096xf32> to vector<512x512xf32>
    %lt3A_99 = arith.cmpf olt, %slice3A_98, %slice3A_95 : vector<512x512xf32>
    %min3A_100 = arith.minimumf %slice3A_95, %slice3A_98 : vector<512x512xf32>
    %jit3A_101 = arith.constant 1.000000e+00 : f32
    %broadcast_in_dim3A_102 = vector.broadcast %jit3A_101 : f32 to vector<512x512xf32>
    %select_n3A_103 = arith.select %lt3A_99, %broadcast_in_dim3A_102, %broadcast_in_dim3A_97 : vector<512x512xi1>, vector<512x512xf32>
    %slice3A_104 = vector.extract_strided_slice %select_n3A_94 {offsets = [0, 1024], sizes = [512, 512], strides = [1, 1]} : vector<512x4096xf32> to vector<512x512xf32>
    %lt3A_105 = arith.cmpf olt, %slice3A_104, %min3A_100 : vector<512x512xf32>
    %min3A_106 = arith.minimumf %min3A_100, %slice3A_104 : vector<512x512xf32>
    %jit3A_107 = arith.constant 2.000000e+00 : f32
    %broadcast_in_dim3A_108 = vector.broadcast %jit3A_107 : f32 to vector<512x512xf32>
    %select_n3A_109 = arith.select %lt3A_105, %broadcast_in_dim3A_108, %select_n3A_103 : vector<512x512xi1>, vector<512x512xf32>
    %slice3A_110 = vector.extract_strided_slice %select_n3A_94 {offsets = [0, 1536], sizes = [512, 512], strides = [1, 1]} : vector<512x4096xf32> to vector<512x512xf32>
    %lt3A_111 = arith.cmpf olt, %slice3A_110, %min3A_106 : vector<512x512xf32>
    %min3A_112 = arith.minimumf %min3A_106, %slice3A_110 : vector<512x512xf32>
    %jit3A_113 = arith.constant 3.000000e+00 : f32
    %broadcast_in_dim3A_114 = vector.broadcast %jit3A_113 : f32 to vector<512x512xf32>
    %select_n3A_115 = arith.select %lt3A_111, %broadcast_in_dim3A_114, %select_n3A_109 : vector<512x512xi1>, vector<512x512xf32>
    %slice3A_116 = vector.extract_strided_slice %select_n3A_94 {offsets = [0, 2048], sizes = [512, 512], strides = [1, 1]} : vector<512x4096xf32> to vector<512x512xf32>
    %lt3A_117 = arith.cmpf olt, %slice3A_116, %min3A_112 : vector<512x512xf32>
    %min3A_118 = arith.minimumf %min3A_112, %slice3A_116 : vector<512x512xf32>
    %jit3A_119 = arith.constant 4.000000e+00 : f32
    %broadcast_in_dim3A_120 = vector.broadcast %jit3A_119 : f32 to vector<512x512xf32>
    %select_n3A_121 = arith.select %lt3A_117, %broadcast_in_dim3A_120, %select_n3A_115 : vector<512x512xi1>, vector<512x512xf32>
    %slice3A_122 = vector.extract_strided_slice %select_n3A_94 {offsets = [0, 2560], sizes = [512, 512], strides = [1, 1]} : vector<512x4096xf32> to vector<512x512xf32>
    %lt3A_123 = arith.cmpf olt, %slice3A_122, %min3A_118 : vector<512x512xf32>
    %min3A_124 = arith.minimumf %min3A_118, %slice3A_122 : vector<512x512xf32>
    %jit3A_125 = arith.constant 5.000000e+00 : f32
    %broadcast_in_dim3A_126 = vector.broadcast %jit3A_125 : f32 to vector<512x512xf32>
    %select_n3A_127 = arith.select %lt3A_123, %broadcast_in_dim3A_126, %select_n3A_121 : vector<512x512xi1>, vector<512x512xf32>
    %slice3A_128 = vector.extract_strided_slice %select_n3A_94 {offsets = [0, 3072], sizes = [512, 512], strides = [1, 1]} : vector<512x4096xf32> to vector<512x512xf32>
    %lt3A_129 = arith.cmpf olt, %slice3A_128, %min3A_124 : vector<512x512xf32>
    %min3A_130 = arith.minimumf %min3A_124, %slice3A_128 : vector<512x512xf32>
    %jit3A_131 = arith.constant 6.000000e+00 : f32
    %broadcast_in_dim3A_132 = vector.broadcast %jit3A_131 : f32 to vector<512x512xf32>
    %select_n3A_133 = arith.select %lt3A_129, %broadcast_in_dim3A_132, %select_n3A_127 : vector<512x512xi1>, vector<512x512xf32>
    %slice3A_134 = vector.extract_strided_slice %select_n3A_94 {offsets = [0, 3584], sizes = [512, 512], strides = [1, 1]} : vector<512x4096xf32> to vector<512x512xf32>
    %lt3A_135 = arith.cmpf olt, %slice3A_134, %min3A_130 : vector<512x512xf32>
    %min3A_136 = arith.minimumf %min3A_130, %slice3A_134 : vector<512x512xf32>
    %jit3A_137 = arith.constant 7.000000e+00 : f32
    %broadcast_in_dim3A_138 = vector.broadcast %jit3A_137 : f32 to vector<512x512xf32>
    %select_n3A_139 = arith.select %lt3A_135, %broadcast_in_dim3A_138, %select_n3A_133 : vector<512x512xi1>, vector<512x512xf32>
    %reduce_min3A_140 = arith.constant dense<0x7F800000> : vector<512xf32>
    %reduce_min3A_141 = vector.multi_reduction <minimumf>, %min3A_136, %reduce_min3A_140 [1] : vector<512x512xf32> to vector<512xf32>
    %broadcast_in_dim3A_142 = vector.shape_cast %reduce_min3A_141 : vector<512xf32> to vector<512x1xf32>
    %mul3A_143 = arith.constant 5.120000e+02 : f32
    %mul3A_144 = vector.broadcast %mul3A_143 : f32 to vector<512x512xf32>
    %mul3A_145 = arith.mulf %select_n3A_139, %mul3A_144 : vector<512x512xf32>
    %add3A_146 = arith.addf %mul3A_145, %convert_element_type3A : vector<512x512xf32>
    %eq3A_147 = vector.broadcast %broadcast_in_dim3A_142 : vector<512x1xf32> to vector<512x512xf32>
    %eq3A_148 = arith.cmpf oeq, %min3A_136, %eq3A_147 : vector<512x512xf32>
    %jit3A_149 = arith.constant 8.192000e+03 : f32
    %broadcast_in_dim3A_150 = vector.broadcast %jit3A_149 : f32 to vector<512x512xf32>
    %select_n3A_151 = arith.select %eq3A_148, %add3A_146, %broadcast_in_dim3A_150 : vector<512x512xi1>, vector<512x512xf32>
    %reduce_min3A_152 = arith.constant dense<0x7F800000> : vector<512xf32>
    %reduce_min3A_153 = vector.multi_reduction <minimumf>, %select_n3A_151, %reduce_min3A_152 [1] : vector<512x512xf32> to vector<512xf32>
    %broadcast_in_dim3A_154 = vector.shape_cast %reduce_min3A_153 : vector<512xf32> to vector<512x1xf32>
    %convert_element_type3A_155 = arith.fptosi %broadcast_in_dim3A_154 : vector<512x1xf32> to vector<512x1xi32>
    %lt3A_156 = arith.constant 2.000000e+00 : f32
    %lt3A_157 = vector.broadcast %lt3A_156 : f32 to vector<512x1xf32>
    %lt3A_158 = arith.cmpf olt, %broadcast_in_dim3A_142, %lt3A_157 : vector<512x1xf32>
    %jit3A_159 = arith.constant 4096 : i32
    %broadcast_in_dim3A_160 = vector.broadcast %jit3A_159 : i32 to vector<512x1xi32>
    %select_n3A_161 = arith.select %lt3A_158, %convert_element_type3A_155, %broadcast_in_dim3A_160 : vector<512x1xi1>, vector<512x1xi32>
    %add3A_162 = vector.broadcast %mul3A_27 : i32 to vector<512x1xi32>
    %add3A_163 = arith.addi %add3A_162, %select_n3A_161 : vector<512x1xi32>
    %convert_element_type3A_164 = arith.extui %lt3A_158 : vector<512x1xi1> to vector<512x1xi32>
    %eq3A_165 = vector.broadcast %convert_element_type3A_155 : vector<512x1xi32> to vector<512x4096xi32>
    %eq3A_166 = arith.cmpi eq, %iota3A, %eq3A_165 : vector<512x4096xi32>
    %jit3A_167 = arith.constant 0x7F800000 : f32
    %broadcast_in_dim3A_168 = vector.broadcast %jit3A_167 : f32 to vector<512x4096xf32>
    %select_n3A_169 = arith.select %eq3A_166, %broadcast_in_dim3A_168, %select_n3A_94 : vector<512x4096xi1>, vector<512x4096xf32>
    %slice3A_170 = vector.extract_strided_slice %select_n3A_169 {offsets = [0, 0], sizes = [512, 512], strides = [1, 1]} : vector<512x4096xf32> to vector<512x512xf32>
    %broadcast_in_dim3A_171 = arith.constant 0.000000e+00 : f32
    %broadcast_in_dim3A_172 = vector.broadcast %broadcast_in_dim3A_171 : f32 to vector<512x512xf32>
    %slice3A_173 = vector.extract_strided_slice %select_n3A_169 {offsets = [0, 512], sizes = [512, 512], strides = [1, 1]} : vector<512x4096xf32> to vector<512x512xf32>
    %lt3A_174 = arith.cmpf olt, %slice3A_173, %slice3A_170 : vector<512x512xf32>
    %min3A_175 = arith.minimumf %slice3A_170, %slice3A_173 : vector<512x512xf32>
    %jit3A_176 = arith.constant 1.000000e+00 : f32
    %broadcast_in_dim3A_177 = vector.broadcast %jit3A_176 : f32 to vector<512x512xf32>
    %select_n3A_178 = arith.select %lt3A_174, %broadcast_in_dim3A_177, %broadcast_in_dim3A_172 : vector<512x512xi1>, vector<512x512xf32>
    %slice3A_179 = vector.extract_strided_slice %select_n3A_169 {offsets = [0, 1024], sizes = [512, 512], strides = [1, 1]} : vector<512x4096xf32> to vector<512x512xf32>
    %lt3A_180 = arith.cmpf olt, %slice3A_179, %min3A_175 : vector<512x512xf32>
    %min3A_181 = arith.minimumf %min3A_175, %slice3A_179 : vector<512x512xf32>
    %jit3A_182 = arith.constant 2.000000e+00 : f32
    %broadcast_in_dim3A_183 = vector.broadcast %jit3A_182 : f32 to vector<512x512xf32>
    %select_n3A_184 = arith.select %lt3A_180, %broadcast_in_dim3A_183, %select_n3A_178 : vector<512x512xi1>, vector<512x512xf32>
    %slice3A_185 = vector.extract_strided_slice %select_n3A_169 {offsets = [0, 1536], sizes = [512, 512], strides = [1, 1]} : vector<512x4096xf32> to vector<512x512xf32>
    %lt3A_186 = arith.cmpf olt, %slice3A_185, %min3A_181 : vector<512x512xf32>
    %min3A_187 = arith.minimumf %min3A_181, %slice3A_185 : vector<512x512xf32>
    %jit3A_188 = arith.constant 3.000000e+00 : f32
    %broadcast_in_dim3A_189 = vector.broadcast %jit3A_188 : f32 to vector<512x512xf32>
    %select_n3A_190 = arith.select %lt3A_186, %broadcast_in_dim3A_189, %select_n3A_184 : vector<512x512xi1>, vector<512x512xf32>
    %slice3A_191 = vector.extract_strided_slice %select_n3A_169 {offsets = [0, 2048], sizes = [512, 512], strides = [1, 1]} : vector<512x4096xf32> to vector<512x512xf32>
    %lt3A_192 = arith.cmpf olt, %slice3A_191, %min3A_187 : vector<512x512xf32>
    %min3A_193 = arith.minimumf %min3A_187, %slice3A_191 : vector<512x512xf32>
    %jit3A_194 = arith.constant 4.000000e+00 : f32
    %broadcast_in_dim3A_195 = vector.broadcast %jit3A_194 : f32 to vector<512x512xf32>
    %select_n3A_196 = arith.select %lt3A_192, %broadcast_in_dim3A_195, %select_n3A_190 : vector<512x512xi1>, vector<512x512xf32>
    %slice3A_197 = vector.extract_strided_slice %select_n3A_169 {offsets = [0, 2560], sizes = [512, 512], strides = [1, 1]} : vector<512x4096xf32> to vector<512x512xf32>
    %lt3A_198 = arith.cmpf olt, %slice3A_197, %min3A_193 : vector<512x512xf32>
    %min3A_199 = arith.minimumf %min3A_193, %slice3A_197 : vector<512x512xf32>
    %jit3A_200 = arith.constant 5.000000e+00 : f32
    %broadcast_in_dim3A_201 = vector.broadcast %jit3A_200 : f32 to vector<512x512xf32>
    %select_n3A_202 = arith.select %lt3A_198, %broadcast_in_dim3A_201, %select_n3A_196 : vector<512x512xi1>, vector<512x512xf32>
    %slice3A_203 = vector.extract_strided_slice %select_n3A_169 {offsets = [0, 3072], sizes = [512, 512], strides = [1, 1]} : vector<512x4096xf32> to vector<512x512xf32>
    %lt3A_204 = arith.cmpf olt, %slice3A_203, %min3A_199 : vector<512x512xf32>
    %min3A_205 = arith.minimumf %min3A_199, %slice3A_203 : vector<512x512xf32>
    %jit3A_206 = arith.constant 6.000000e+00 : f32
    %broadcast_in_dim3A_207 = vector.broadcast %jit3A_206 : f32 to vector<512x512xf32>
    %select_n3A_208 = arith.select %lt3A_204, %broadcast_in_dim3A_207, %select_n3A_202 : vector<512x512xi1>, vector<512x512xf32>
    %slice3A_209 = vector.extract_strided_slice %select_n3A_169 {offsets = [0, 3584], sizes = [512, 512], strides = [1, 1]} : vector<512x4096xf32> to vector<512x512xf32>
    %lt3A_210 = arith.cmpf olt, %slice3A_209, %min3A_205 : vector<512x512xf32>
    %min3A_211 = arith.minimumf %min3A_205, %slice3A_209 : vector<512x512xf32>
    %jit3A_212 = arith.constant 7.000000e+00 : f32
    %broadcast_in_dim3A_213 = vector.broadcast %jit3A_212 : f32 to vector<512x512xf32>
    %select_n3A_214 = arith.select %lt3A_210, %broadcast_in_dim3A_213, %select_n3A_208 : vector<512x512xi1>, vector<512x512xf32>
    %reduce_min3A_215 = arith.constant dense<0x7F800000> : vector<512xf32>
    %reduce_min3A_216 = vector.multi_reduction <minimumf>, %min3A_211, %reduce_min3A_215 [1] : vector<512x512xf32> to vector<512xf32>
    %broadcast_in_dim3A_217 = vector.shape_cast %reduce_min3A_216 : vector<512xf32> to vector<512x1xf32>
    %mul3A_218 = arith.constant 5.120000e+02 : f32
    %mul3A_219 = vector.broadcast %mul3A_218 : f32 to vector<512x512xf32>
    %mul3A_220 = arith.mulf %select_n3A_214, %mul3A_219 : vector<512x512xf32>
    %add3A_221 = arith.addf %mul3A_220, %convert_element_type3A : vector<512x512xf32>
    %eq3A_222 = vector.broadcast %broadcast_in_dim3A_217 : vector<512x1xf32> to vector<512x512xf32>
    %eq3A_223 = arith.cmpf oeq, %min3A_211, %eq3A_222 : vector<512x512xf32>
    %jit3A_224 = arith.constant 8.192000e+03 : f32
    %broadcast_in_dim3A_225 = vector.broadcast %jit3A_224 : f32 to vector<512x512xf32>
    %select_n3A_226 = arith.select %eq3A_223, %add3A_221, %broadcast_in_dim3A_225 : vector<512x512xi1>, vector<512x512xf32>
    %reduce_min3A_227 = arith.constant dense<0x7F800000> : vector<512xf32>
    %reduce_min3A_228 = vector.multi_reduction <minimumf>, %select_n3A_226, %reduce_min3A_227 [1] : vector<512x512xf32> to vector<512xf32>
    %broadcast_in_dim3A_229 = vector.shape_cast %reduce_min3A_228 : vector<512xf32> to vector<512x1xf32>
    %convert_element_type3A_230 = arith.fptosi %broadcast_in_dim3A_229 : vector<512x1xf32> to vector<512x1xi32>
    %lt3A_231 = arith.constant 2.000000e+00 : f32
    %lt3A_232 = vector.broadcast %lt3A_231 : f32 to vector<512x1xf32>
    %lt3A_233 = arith.cmpf olt, %broadcast_in_dim3A_217, %lt3A_232 : vector<512x1xf32>
    %jit3A_234 = arith.constant 4096 : i32
    %broadcast_in_dim3A_235 = vector.broadcast %jit3A_234 : i32 to vector<512x1xi32>
    %select_n3A_236 = arith.select %lt3A_233, %convert_element_type3A_230, %broadcast_in_dim3A_235 : vector<512x1xi1>, vector<512x1xi32>
    %add3A_237 = vector.broadcast %mul3A_27 : i32 to vector<512x1xi32>
    %add3A_238 = arith.addi %add3A_237, %select_n3A_236 : vector<512x1xi32>
    %convert_element_type3A_239 = arith.extui %lt3A_233 : vector<512x1xi1> to vector<512x1xi32>
    %eq3A_240 = vector.broadcast %convert_element_type3A_230 : vector<512x1xi32> to vector<512x4096xi32>
    %eq3A_241 = arith.cmpi eq, %iota3A, %eq3A_240 : vector<512x4096xi32>
    %jit3A_242 = arith.constant 0x7F800000 : f32
    %broadcast_in_dim3A_243 = vector.broadcast %jit3A_242 : f32 to vector<512x4096xf32>
    %select_n3A_244 = arith.select %eq3A_241, %broadcast_in_dim3A_243, %select_n3A_169 : vector<512x4096xi1>, vector<512x4096xf32>
    %slice3A_245 = vector.extract_strided_slice %select_n3A_244 {offsets = [0, 0], sizes = [512, 512], strides = [1, 1]} : vector<512x4096xf32> to vector<512x512xf32>
    %broadcast_in_dim3A_246 = arith.constant 0.000000e+00 : f32
    %broadcast_in_dim3A_247 = vector.broadcast %broadcast_in_dim3A_246 : f32 to vector<512x512xf32>
    %slice3A_248 = vector.extract_strided_slice %select_n3A_244 {offsets = [0, 512], sizes = [512, 512], strides = [1, 1]} : vector<512x4096xf32> to vector<512x512xf32>
    %lt3A_249 = arith.cmpf olt, %slice3A_248, %slice3A_245 : vector<512x512xf32>
    %min3A_250 = arith.minimumf %slice3A_245, %slice3A_248 : vector<512x512xf32>
    %jit3A_251 = arith.constant 1.000000e+00 : f32
    %broadcast_in_dim3A_252 = vector.broadcast %jit3A_251 : f32 to vector<512x512xf32>
    %select_n3A_253 = arith.select %lt3A_249, %broadcast_in_dim3A_252, %broadcast_in_dim3A_247 : vector<512x512xi1>, vector<512x512xf32>
    %slice3A_254 = vector.extract_strided_slice %select_n3A_244 {offsets = [0, 1024], sizes = [512, 512], strides = [1, 1]} : vector<512x4096xf32> to vector<512x512xf32>
    %lt3A_255 = arith.cmpf olt, %slice3A_254, %min3A_250 : vector<512x512xf32>
    %min3A_256 = arith.minimumf %min3A_250, %slice3A_254 : vector<512x512xf32>
    %jit3A_257 = arith.constant 2.000000e+00 : f32
    %broadcast_in_dim3A_258 = vector.broadcast %jit3A_257 : f32 to vector<512x512xf32>
    %select_n3A_259 = arith.select %lt3A_255, %broadcast_in_dim3A_258, %select_n3A_253 : vector<512x512xi1>, vector<512x512xf32>
    %slice3A_260 = vector.extract_strided_slice %select_n3A_244 {offsets = [0, 1536], sizes = [512, 512], strides = [1, 1]} : vector<512x4096xf32> to vector<512x512xf32>
    %lt3A_261 = arith.cmpf olt, %slice3A_260, %min3A_256 : vector<512x512xf32>
    %min3A_262 = arith.minimumf %min3A_256, %slice3A_260 : vector<512x512xf32>
    %jit3A_263 = arith.constant 3.000000e+00 : f32
    %broadcast_in_dim3A_264 = vector.broadcast %jit3A_263 : f32 to vector<512x512xf32>
    %select_n3A_265 = arith.select %lt3A_261, %broadcast_in_dim3A_264, %select_n3A_259 : vector<512x512xi1>, vector<512x512xf32>
    %slice3A_266 = vector.extract_strided_slice %select_n3A_244 {offsets = [0, 2048], sizes = [512, 512], strides = [1, 1]} : vector<512x4096xf32> to vector<512x512xf32>
    %lt3A_267 = arith.cmpf olt, %slice3A_266, %min3A_262 : vector<512x512xf32>
    %min3A_268 = arith.minimumf %min3A_262, %slice3A_266 : vector<512x512xf32>
    %jit3A_269 = arith.constant 4.000000e+00 : f32
    %broadcast_in_dim3A_270 = vector.broadcast %jit3A_269 : f32 to vector<512x512xf32>
    %select_n3A_271 = arith.select %lt3A_267, %broadcast_in_dim3A_270, %select_n3A_265 : vector<512x512xi1>, vector<512x512xf32>
    %slice3A_272 = vector.extract_strided_slice %select_n3A_244 {offsets = [0, 2560], sizes = [512, 512], strides = [1, 1]} : vector<512x4096xf32> to vector<512x512xf32>
    %lt3A_273 = arith.cmpf olt, %slice3A_272, %min3A_268 : vector<512x512xf32>
    %min3A_274 = arith.minimumf %min3A_268, %slice3A_272 : vector<512x512xf32>
    %jit3A_275 = arith.constant 5.000000e+00 : f32
    %broadcast_in_dim3A_276 = vector.broadcast %jit3A_275 : f32 to vector<512x512xf32>
    %select_n3A_277 = arith.select %lt3A_273, %broadcast_in_dim3A_276, %select_n3A_271 : vector<512x512xi1>, vector<512x512xf32>
    %slice3A_278 = vector.extract_strided_slice %select_n3A_244 {offsets = [0, 3072], sizes = [512, 512], strides = [1, 1]} : vector<512x4096xf32> to vector<512x512xf32>
    %lt3A_279 = arith.cmpf olt, %slice3A_278, %min3A_274 : vector<512x512xf32>
    %min3A_280 = arith.minimumf %min3A_274, %slice3A_278 : vector<512x512xf32>
    %jit3A_281 = arith.constant 6.000000e+00 : f32
    %broadcast_in_dim3A_282 = vector.broadcast %jit3A_281 : f32 to vector<512x512xf32>
    %select_n3A_283 = arith.select %lt3A_279, %broadcast_in_dim3A_282, %select_n3A_277 : vector<512x512xi1>, vector<512x512xf32>
    %slice3A_284 = vector.extract_strided_slice %select_n3A_244 {offsets = [0, 3584], sizes = [512, 512], strides = [1, 1]} : vector<512x4096xf32> to vector<512x512xf32>
    %lt3A_285 = arith.cmpf olt, %slice3A_284, %min3A_280 : vector<512x512xf32>
    %min3A_286 = arith.minimumf %min3A_280, %slice3A_284 : vector<512x512xf32>
    %jit3A_287 = arith.constant 7.000000e+00 : f32
    %broadcast_in_dim3A_288 = vector.broadcast %jit3A_287 : f32 to vector<512x512xf32>
    %select_n3A_289 = arith.select %lt3A_285, %broadcast_in_dim3A_288, %select_n3A_283 : vector<512x512xi1>, vector<512x512xf32>
    %reduce_min3A_290 = arith.constant dense<0x7F800000> : vector<512xf32>
    %reduce_min3A_291 = vector.multi_reduction <minimumf>, %min3A_286, %reduce_min3A_290 [1] : vector<512x512xf32> to vector<512xf32>
    %broadcast_in_dim3A_292 = vector.shape_cast %reduce_min3A_291 : vector<512xf32> to vector<512x1xf32>
    %mul3A_293 = arith.constant 5.120000e+02 : f32
    %mul3A_294 = vector.broadcast %mul3A_293 : f32 to vector<512x512xf32>
    %mul3A_295 = arith.mulf %select_n3A_289, %mul3A_294 : vector<512x512xf32>
    %add3A_296 = arith.addf %mul3A_295, %convert_element_type3A : vector<512x512xf32>
    %eq3A_297 = vector.broadcast %broadcast_in_dim3A_292 : vector<512x1xf32> to vector<512x512xf32>
    %eq3A_298 = arith.cmpf oeq, %min3A_286, %eq3A_297 : vector<512x512xf32>
    %jit3A_299 = arith.constant 8.192000e+03 : f32
    %broadcast_in_dim3A_300 = vector.broadcast %jit3A_299 : f32 to vector<512x512xf32>
    %select_n3A_301 = arith.select %eq3A_298, %add3A_296, %broadcast_in_dim3A_300 : vector<512x512xi1>, vector<512x512xf32>
    %reduce_min3A_302 = arith.constant dense<0x7F800000> : vector<512xf32>
    %reduce_min3A_303 = vector.multi_reduction <minimumf>, %select_n3A_301, %reduce_min3A_302 [1] : vector<512x512xf32> to vector<512xf32>
    %broadcast_in_dim3A_304 = vector.shape_cast %reduce_min3A_303 : vector<512xf32> to vector<512x1xf32>
    %convert_element_type3A_305 = arith.fptosi %broadcast_in_dim3A_304 : vector<512x1xf32> to vector<512x1xi32>
    %lt3A_306 = arith.constant 2.000000e+00 : f32
    %lt3A_307 = vector.broadcast %lt3A_306 : f32 to vector<512x1xf32>
    %lt3A_308 = arith.cmpf olt, %broadcast_in_dim3A_292, %lt3A_307 : vector<512x1xf32>
    %jit3A_309 = arith.constant 4096 : i32
    %broadcast_in_dim3A_310 = vector.broadcast %jit3A_309 : i32 to vector<512x1xi32>
    %select_n3A_311 = arith.select %lt3A_308, %convert_element_type3A_305, %broadcast_in_dim3A_310 : vector<512x1xi1>, vector<512x1xi32>
    %add3A_312 = vector.broadcast %mul3A_27 : i32 to vector<512x1xi32>
    %add3A_313 = arith.addi %add3A_312, %select_n3A_311 : vector<512x1xi32>
    %convert_element_type3A_314 = arith.extui %lt3A_308 : vector<512x1xi1> to vector<512x1xi32>
    %concatenate3A = tpu.concatenate %add3A_88, %add3A_163, %add3A_238, %add3A_313 in 1 : vector<512x1xi32>, vector<512x1xi32>, vector<512x1xi32>, vector<512x1xi32> -> vector<512x4xi32>
    %swap3A = arith.constant 0 : index
    %swap3A_315 = arith.constant 0 : index
    %swap3A_316 = arith.constant 0 : index
    %swap3A_317 = vector.load %arg4[%swap3A, %swap3A_315, %swap3A_316] : memref<1x512x4xi32, #tpu.memory_space<vmem>>, vector<1x512x4xi32>
    %swap3A_318 = vector.shape_cast %swap3A_317 : vector<1x512x4xi32> to vector<512x4xi32>
    %swap3A_319 = vector.shape_cast %concatenate3A : vector<512x4xi32> to vector<1x512x4xi32>
    tpu.vector_store %arg4[%swap3A, %swap3A_315, %swap3A_316], %swap3A_319 {strides = array<i32>} : memref<1x512x4xi32, #tpu.memory_space<vmem>>, vector<1x512x4xi32>,
    %concatenate3A_320 = tpu.concatenate %convert_element_type3A_89, %convert_element_type3A_164, %convert_element_type3A_239, %convert_element_type3A_314 in 1 : vector<512x1xi32>, vector<512x1xi32>, vector<512x1xi32>, vector<512x1xi32> -> vector<512x4xi32>
    %swap3A_321 = arith.constant 0 : index
    %swap3A_322 = arith.constant 0 : index
    %swap3A_323 = arith.constant 0 : index
    %swap3A_324 = vector.load %arg5[%swap3A_321, %swap3A_322, %swap3A_323] : memref<1x512x4xi32, #tpu.memory_space<vmem>>, vector<1x512x4xi32>
    %swap3A_325 = vector.shape_cast %swap3A_324 : vector<1x512x4xi32> to vector<512x4xi32>
    %swap3A_326 = vector.shape_cast %concatenate3A_320 : vector<512x4xi32> to vector<1x512x4xi32>
    tpu.vector_store %arg5[%swap3A_321, %swap3A_322, %swap3A_323], %swap3A_326 {strides = array<i32>} : memref<1x512x4xi32, #tpu.memory_space<vmem>>, vector<1x512x4xi32>,
    return
  }
  func.func @transform_0(%arg0: i32, %arg1: i32) -> (i32, i32, i32) {
    %c0_i32 = arith.constant 0 : i32
    %c0_i32_0 = arith.constant 0 : i32
    return %arg0, %arg1, %c0_i32 : i32, i32, i32
  }
  func.func @transform_1(%arg0: i32, %arg1: i32) -> (i32, i32, i32) {
    %c0_i32 = arith.constant 0 : i32
    %c0_i32_0 = arith.constant 0 : i32
    %c0_i32_1 = arith.constant 0 : i32
    return %arg0, %c0_i32, %c0_i32_0 : i32, i32, i32
  }
  func.func @transform_2(%arg0: i32, %arg1: i32) -> (i32, i32, i32) {
    %c0_i32 = arith.constant 0 : i32
    %c0_i32_0 = arith.constant 0 : i32
    return %arg0, %arg1, %c0_i32 : i32, i32, i32
  }
  func.func @transform_3(%arg0: i32, %arg1: i32) -> (i32, i32, i32) {
    %c0_i32 = arith.constant 0 : i32
    %c0_i32_0 = arith.constant 0 : i32
    return %arg0, %arg1, %c0_i32 : i32, i32, i32
  }
}

</mosaic_0001>

<sc_bundles>
// kernel: kernel.4.cloned.1.call-start
scs
__scs_entry_jumppad:
0x0: {  	(pc) =	sbr.rel $0x88, $3  }
0x1: {  	(tag) =	ssettag $0x0;
	lr =	simm.s32 $0x1  }
0x2: {  	[smem:$0x3F9E] =	sst lr;
	_ =	strace $0xD0000000  }
0x3: {  	_ = 	snop  }
0x4: {  	_ = 	snop  }
0x5: {  	_ = 	snop  }
0x6: {  	_ = 	snop  }
0x7: {  	_ = 	snop  }
__scs_overlays_trampoline_lowered:
0x8: {  	[smem:$0x3FAD] =	sst s0  }
0x9: {  	[smem:$0x3FAE] =	sst s1  }
0xa: {  	[smem:$0x3FAF] =	sst s2  }
0xb: {  	[smem:$0x3FB0] =	sst s3  }
0xc: {  	[smem:$0x3FB1] =	sst s4  }
0xd: {  	[smem:$0x3FB2] =	sst s5  }
0xe: {  	[smem:$0x3FB3] =	sst s6  }
0xf: {  	[smem:$0x3FB4] =	sst s7  }
0x10: {  	[smem:$0x3FB5] =	sst s8  }
0x11: {  	[smem:$0x3FB6] =	sst s9;
	s0 =	simm.s32 @!p0 $0x0  }
0x12: {  	s1 =	sld [smem:$0x3F9C];
	s0 =	simm.s32 @p0 $0x1  }
0x13: {  	[smem:$0x3FB7] =	sst s0;
	s0 =	simm.s32 @!p1 $0x0  }
0x14: {  	s2 =	sld [smem:$0x3F9B];
	s0 =	simm.s32 @p1 $0x1  }
0x15: {  	[smem:$0x3FB8] =	sst s0;
	s0 =	simm.s32 @!p2 $0x0  }
0x16: {  	s3 =	sld [smem:$0x3FDB];
	s0 =	simm.s32 @p2 $0x1  }
0x17: {  	s4 =	simm.s32 $0x1BF5;
	[smem:$0x3FBA] =	sst s0  }
0x18: {  	s0 =	sld [smem:$0x3F9D];
	_ =	swait.ge [sflag:s4], $0x0  }
0x19: {  	s7 =	sld [smem:$0x3F9E]  }
0x1a: {  	s8 =	sadd.s32 $0xFFFFE003, lr  }
0x1b: {  	s9 =	sadd.s32 $0xFFFFFEF7, lr;
	s5 =	simm.s32 $0xFFFFFFFF;
	p2 =	slt.u32 s8, $0xFFFFF086  }
0x1c: {  	p1 =	slt.u32 s9, $0xF7A;
	s5 =	simm.s32 @!p2 $0x0  }
0x1d: {  	s5 =	simm.s32 @p1 $0x1;
	p0 =	seq.s32 s7, s2  }
0x1e: {  	s7 =	smul.u32 @!p0 $0xF7A, s2;
	p2 =	seq.s32 @!p0 s5, $0x0  }
0x1f: {  	s9 =	smul.u32 $0xF7A, s1;
	s8 =	simm.s32 @!p0 $0x1BF5;
	p2 =	por !p2, p0  }
0x20: {  	[sflag:s8] =	ssyncset.s32 @!p0 $0xFFFFF086;
	s6 =	sadd.s32 @!p0 s3, s7;
	s7 =	simm.s32 @!p0 $0x108  }
0x21: {  	s3 =	sadd.s32 s3, s9;
	s6 =	sadd.s32 @!p0 $0x88, s6;
	s7 =	simm.s32 @p2 $0x1082  }
0x22: {  	[simem:s7], [sflag:s8] =	dma.local @!p0 [hbm:s6], $0xF7A  }
0x23: {  	s9 =	sor.u32 $0xD0000000, s2;
	s6 =	simm.s32 $0x108;
	_ =	swait.ge @!p0 [sflag:s8], $0x0  }
0x24: {  	s3 =	sadd.s32 $0x88, s3;
	s6 =	simm.s32 @!p1 $0x1082;
	[sflag:s4] =	ssyncset.s32 $0xFFFFF086  }
0x25: {  	[simem:s6], [sflag:s4] =	dma.local [hbm:s3], $0xF7A  }
0x26: {  	[smem:$0x3F9E] =	sst s1;
	(tag) =	ssettag s2;
	_ =	strace s9  }
0x27: {  	s1 =	sld [smem:$0x3FAE]  }
0x28: {  	s2 =	sld [smem:$0x3FAF]  }
0x29: {  	s4 =	sld [smem:$0x3FB1]  }
0x2a: {  	p0 =	seq.s32 s5, $0x0;
	s5 =	sld [smem:$0x3FB2]  }
0x2b: {  	s6 =	sld [smem:$0x3FB3]  }
0x2c: {  	s7 =	sld [smem:$0x3FB4]  }
0x2d: {  	s3 =	simm.s32 $0x108;
	s8 =	sld [smem:$0x3FB5]  }
0x2e: {  	s3 =	simm.s32 @!p0 $0x1082;
	s9 =	sld [smem:$0x3FB6]  }
0x2f: {  	lr =	sadd.s32 s0, s3;
	s0 =	sld [smem:$0x3FAD]  }
0x30: {  	s3 =	sld [smem:$0x3FB0]  }
0x31: {  	[smem:$0x3FB9] =	sst s10  }
0x32: {  	s10 =	sld [smem:$0x3FB7];
	_ =	sdelay $0x3  }
0x33: {  	p0 =	seq.s32 s10, $0x1;
	s10 =	sld [smem:$0x3FB9];
	_ =	sdelay $0x3  }
0x34: {  	[smem:$0x3FB9] =	sst s10  }
0x35: {  	s10 =	sld [smem:$0x3FB8];
	_ =	sdelay $0x3  }
0x36: {  	p1 =	seq.s32 s10, $0x1;
	s10 =	sld [smem:$0x3FB9];
	_ =	sdelay $0x3  }
0x37: {  	[smem:$0x3FB9] =	sst s10  }
0x38: {  	s10 =	sld [smem:$0x3FBA]  }
0x39: {  	_ = 	snop;
	(pc) =	sbr.ind lr, $3  }
0x3a: {  	_ = 	snop  }
0x3b: {  	_ = 	snop  }
0x3c: {  	p2 =	seq.s32 s10, $0x1;
	s10 =	sld [smem:$0x3FB9]  }
0x3d: {  	_ =	shalt  }
0x3e: {  	_ =	shalt  }
0x3f: {  	_ =	shalt  }
0x40: {  	_ =	shalt  }
0x41: {  	_ =	shalt  }
0x42: {  	_ =	shalt  }
0x43: {  	_ =	shalt  }
0x44: {  	_ =	shalt  }
0x45: {  	_ =	shalt  }
0x46: {  	_ =	shalt  }
0x47: {  	_ =	shalt  }
0x48: {  	_ =	shalt  }
0x49: {  	_ =	shalt  }
0x4a: {  	_ =	shalt  }
0x4b: {  	_ =	shalt  }
0x4c: {  	_ =	shalt  }
0x4d: {  	_ =	shalt  }
0x4e: {  	_ =	shalt  }
0x4f: {  	_ =	shalt  }
0x50: {  	_ =	shalt  }
0x51: {  	_ =	shalt  }
0x52: {  	_ =	shalt  }
0x53: {  	_ =	shalt  }
0x54: {  	_ =	shalt  }
0x55: {  	_ =	shalt  }
0x56: {  	_ =	shalt  }
0x57: {  	_ =	shalt  }
0x58: {  	_ =	shalt  }
0x59: {  	_ =	shalt  }
0x5a: {  	_ =	shalt  }
0x5b: {  	_ =	shalt  }
0x5c: {  	_ =	shalt  }
0x5d: {  	_ =	shalt  }
0x5e: {  	_ =	shalt  }
0x5f: {  	_ =	shalt  }
0x60: {  	_ =	shalt  }
0x61: {  	_ =	shalt  }
0x62: {  	_ =	shalt  }
0x63: {  	_ =	shalt  }
0x64: {  	_ =	shalt  }
0x65: {  	_ =	shalt  }
0x66: {  	_ =	shalt  }
0x67: {  	_ =	shalt  }
0x68: {  	_ =	shalt  }
0x69: {  	_ =	shalt  }
0x6a: {  	_ =	shalt  }
0x6b: {  	_ =	shalt  }
0x6c: {  	_ =	shalt  }
0x6d: {  	_ =	shalt  }
0x6e: {  	_ =	shalt  }
0x6f: {  	_ =	shalt  }
0x70: {  	_ =	shalt  }
0x71: {  	_ =	shalt  }
0x72: {  	_ =	shalt  }
0x73: {  	_ =	shalt  }
0x74: {  	_ =	shalt  }
0x75: {  	_ =	shalt  }
0x76: {  	_ =	shalt  }
0x77: {  	_ =	shalt  }
0x78: {  	_ =	shalt  }
0x79: {  	_ =	shalt  }
0x7a: {  	_ =	shalt  }
0x7b: {  	_ =	shalt  }
0x7c: {  	_ =	shalt  }
0x7d: {  	_ =	shalt  }
0x7e: {  	_ =	shalt  }
0x7f: {  	_ =	shalt  }
0x80: {  	_ =	shalt  }
0x81: {  	_ =	shalt  }
0x82: {  	_ =	shalt  }
0x83: {  	_ =	shalt  }
0x84: {  	_ =	shalt  }
0x85: {  	_ =	shalt  }
0x86: {  	_ =	shalt  }
0x87: {  	_ =	shalt  }
.Lfunc_end0:
.L_simem_size_0:
called_computation_lowered:
.L_overlay_start_0:
0x88: {  	s2 =	sld [smem:$0x3FD9]  }
0x89: {  	s3 =	sld [smem:$0x3FFE];
	_ =	sdelay $0x1  }
0x8a: {  	s1 =	srdreg.scid  }
0x8b: {  	s0 =	sand.u32 $0x1, s1  }
0x8c: {  	s14 =	sshll.u32 s0, $0xA;
	s2 =	sadd.s32 s3, s2  }
0x8d: {  	s2 =	sadd.s32 s2, s14  }
0x8e: {  	[smem:$0x3FC5] =	sst s2  }
0x8f: {  	_ = 	snop  }
0x90: {  	s2 =	sld [smem:$0x3FD0];
	_ =	sdelay $0x2  }
0x91: {  	s15 =	simm.s32 $0xA;
	s4 =	simm.s32 $0x10  }
0x92: {  	[smem:s4], [sflag:s15] =	dma.local [hbm:s2], $0x1  }
0x93: {  	_ =	swait.eq [sflag:s15], $0x1  }
0x94: {  	[sflag:s15] =	ssyncset.done $0x0  }
0x95: {  	s16 =	sld [smem:$0x10];
	[sflag:s15] =	ssyncadd.s32 $0xFFFFFFFF  }
0x96: {  	s17 =	sld [smem:$0x11];
	(tm) =	ssettm $0x1  }
0x97: {  	s18 =	sld [smem:$0x3FFB];
	_ =	sdelay $0x3  }
0x98: {  	_ =	strace s18  }
0x99: {  	s4 =	sld [smem:$0x3FFC];
	_ =	sdelay $0x3  }
0x9a: {  	_ =	strace s4  }
0x9b: {  	s4 =	sld [smem:$0x3FFD];
	_ =	sdelay $0x3  }
0x9c: {  	_ =	strace s4  }
0x9d: {  	_ =	strace $0x8FFFFFFF  }
0x9e: {  	s19 =	sld [smem:$0x3FDB];
	_ =	sdelay $0x1  }
0x9f: {  	s5 =	simm.s32 $_scs_section_size  }
0xa0: {  	s6 =	simm.s32 $_size__tile_overlayer_lowered;
	s7 =	simm.s32 $_tile_overlayer_lowered  }
0xa1: {  	s22 =	simm.s32 $0x1BFF;
	s21 =	sshll.u32 s7, $0x1;
	s4 =	sadd.s32 s5, s19  }
0xa2: {  	s8 =	simm.s32 $0x0;
	s20 =	sshll.u32 s6, $0x1;
	s6 =	sadd.s32 s21, s4  }
0xa3: {  	[timem:s8], [sflag:s22] =	dma.local [hbm:s6], s20  }
0xa4: {  	_ =	swait.ge [sflag:s22], s20  }
0xa5: {  	s5 =	ssub.s32 $0x0, s20;
	[sflag:s22] =	ssyncset.done $0x0  }
0xa6: {  	[sflag:s22] =	ssyncadd.s32 s5;
	_ =	sdelay $0x1  }
0xa7: {  	s23 =	simm.s32 $0x1B8B  }
0xa8: {  	_ =	swait.ge [sflag:s23], $0x1  }
0xa9: {  	[sflag:s23] =	ssyncset.done $0x0  }
0xaa: {  	s25 =	simm.s32 $0x1B8E;
	s24 =	sld [smem:$0x3FFE];
	[sflag:s23] =	ssyncadd.s32 $0xFFFFFFFF  }
0xab: {  	s26 =	simm.s32 $execute0_lowered;
	[smem:$0x3FD2] =	sst s25  }
0xac: {  	s6 =	sshll.u32 s26, $0x1;
	_ =	strace $0x80000046;
	[dreg:$0x1] =	wrdreg $0xFFFFFFFF  }
0xad: {  	s28 =	simm.s32 $_size_execute0_lowered;
	s4 =	sadd.s32 s4, s6;
	[dreg:$0x0] =	wrdreg $0x0  }
0xae: {  	s6 =	sshll.u32 s28, $0x1;
	[dreg:$0x2] =	wrdreg s4  }
0xaf: {  	[dreg:$0x3] =	wrdreg s6  }
0xb0: {  	[dreg:$0x4] =	wrdreg $0xC0  }
0xb1: {  	_ =	task [dreg:s8], $0x5FFFF  }
0xb2: {  	[dreg:$0x1] =	wrdreg $0xFFFFFFFF  }
0xb3: {  	[dreg:$0x0] =	wrdreg $0x60  }
0xb4: {  	[dreg:$0x2] =	wrdreg s16  }
0xb5: {  	[dreg:$0x3] =	wrdreg s17  }
0xb6: {  	[dreg:$0x4] =	wrdreg s24  }
0xb7: {  	[dreg:$0x5] =	wrdreg $0x9  }
0xb8: {  	_ =	task.clear_ibuf [dreg:s8], $0x6FFFF;
	_ =	strace $0x90000046  }
0xb9: {  	s29 =	simm.s32 $0x9;
	_ =	strace $0x80000048  }
0xba: {  	_ =	swait.ge [sflag:s29], $0x1  }
0xbb: {  	[sflag:s29] =	ssyncadd.s32 $0xFFFFFFFF  }
0xbc: {  	_ =	strace $0x90000048  }
0xbd: {  	_ =	sfence  }
0xbe: {  	s30 =	sld [smem:$0x0];
	_ =	sdelay $0x2  }
0xbf: {  	s31 =	sshll.u32 s1, $0xD;
	s1 =	sshrl.u32 s1, $0x2  }
0xc0: {  	s3 =	sand.u32 $0x4000, s31;
	s1 =	sadd.s32 s1, s30  }
0xc1: {  	s0 =	sor.u32 s3, s0;
	s1 =	sshll.u32 s1, $0x11  }
0xc2: {  	s0 =	sor.u32 s1, s0  }
0xc3: {  	s0 =	sadd.s32 $0x8F2B, s0  }
0xc4: {  	[sflag:s0] =	ssyncadd.remote.s32 $0x1  }
0xc5: {  	_ =	sfence.sel $0xFFFF  }
0xc6: {  	[dreg:$0x0] =	wrdreg $0xFFFFFFFF;
	(pc) =	sbr.abs _section_cstart, $3  }
0xc7: {  	[dreg:$0x1] =	wrdreg $0xFFFFFFFF  }
0xc8: {  	_ =	task.clear_ibuf [dreg:s8], $0x2FFFF;
	_ =	strace $0x9FFFFFFF  }
0xc9: {  	(tm) =	ssettm $0x7FFFFFFF  }
tec
execute0_lowered:
.L_overlay_start_1:
0x0: {  	(tag) =	ssettag $0x1  }
0x1: {  	s1 =	rddreg [dreg:$0x0];
	s2 =	srdreg.scid  }
0x2: {  	s4 =	rddreg [dreg:$0x1];
	s0 =	stileid.u32;
	s23 =	sand.u32 $0x1, s2  }
0x3: {  	s22 =	rddreg [dreg:$0x2];
	s5 =	sshll.u32 s0, $0xB;
	s6 =	sshll.u32 s23, $0xA  }
0x4: {  	s3 =	simm.s32 $0x0;
	s2 =	rddreg [dreg:$0x3];
	s24 =	sor.u32 s6, s5  }
0x5: {  	[smem:$0x7FF] =	sst s3;
	s5 =	sshrl.u32 s24, $0x3  }
0x6: {  	_ =	strace $0x80000047;
	s5 =	sadd.s32 s4, s5;
	s4 =	simm.s32 $0x2  }
0x7: {  	[tilespmem:s3], [sflag:$0x2] =	stream.linear.gather [hbm4b:s5+s3], $0x400, $0x38;
	[tilespmem:$0x4400] =	vst v63  }
0x8: {  	_ =	swait.ge [sflag:s4], $0x400  }
0x9: {  	[sflag:s4] =	ssyncset.done $0x0  }
0xa: {  	s7 =	simm.s32 $0x400;
	s6 =	simm.s32 $0x80;
	[sflag:s4] =	ssyncadd.s32 $0xFFFFFC00  }
0xb: {  	[tilespmem:s7], [sflag:$0x1] =	stream.indirect.gather [hbm4b:s1+s6], $0x10, s3, s6, $0xb8;
	[tilespmem:$0x4400] =	vst v63  }
0xc: {  	s8 =	simm.s32 $0xC00  }
0xd: {  	[tilespmem:s8], [sflag:$0x1] =	stream.indirect.gather [hbm4b:s1+s6], $0x10, s6, s6, $0xb8;
	[tilespmem:$0x4400] =	vst v63  }
0xe: {  	s9 =	simm.s32 $0x100;
	s10 =	simm.s32 $0x1400  }
0xf: {  	[tilespmem:s10], [sflag:$0x1] =	stream.indirect.gather [hbm4b:s1+s6], $0x10, s9, s6, $0xb8;
	[tilespmem:$0x4400] =	vst v63  }
0x10: {  	s11 =	simm.s32 $0x180;
	s12 =	simm.s32 $0x1C00  }
0x11: {  	[tilespmem:s12], [sflag:$0x1] =	stream.indirect.gather [hbm4b:s1+s6], $0x10, s11, s6, $0xb8;
	[tilespmem:$0x4400] =	vst v63  }
0x12: {  	s13 =	simm.s32 $0x200;
	s14 =	simm.s32 $0x2400  }
0x13: {  	[tilespmem:s14], [sflag:$0x1] =	stream.indirect.gather [hbm4b:s1+s6], $0x10, s13, s6, $0xb8;
	[tilespmem:$0x4400] =	vst v63  }
0x14: {  	s15 =	simm.s32 $0x280;
	s16 =	simm.s32 $0x2C00  }
0x15: {  	[tilespmem:s16], [sflag:$0x1] =	stream.indirect.gather [hbm4b:s1+s6], $0x10, s15, s6, $0xb8;
	[tilespmem:$0x4400] =	vst v63  }
0x16: {  	s17 =	simm.s32 $0x300;
	s18 =	simm.s32 $0x3400  }
0x17: {  	[tilespmem:s18], [sflag:$0x1] =	stream.indirect.gather [hbm4b:s1+s6], $0x10, s17, s6, $0xb8;
	[tilespmem:$0x4400] =	vst v63  }
0x18: {  	s19 =	simm.s32 $0x380;
	s20 =	simm.s32 $0x3C00;
	s21 =	simm.s32 $0x1  }
0x19: {  	[tilespmem:s20], [sflag:$0x1] =	stream.indirect.gather [hbm4b:s1+s6], $0x10, s19, s6, $0xb8;
	[tilespmem:$0x4400] =	vst v63  }
0x1a: {  	_ =	swait.ge [sflag:s21], $0x800  }
0x1b: {  	[sflag:s21] =	ssyncset.done $0x0  }
0x1c: {  	[sflag:s21] =	ssyncadd.s32 $0xFFFFF800  }
0x1d: {  	_ =	swait.ge [sflag:s21], $0x800  }
0x1e: {  	[sflag:s21] =	ssyncset.done $0x0  }
0x1f: {  	[sflag:s21] =	ssyncadd.s32 $0xFFFFF800  }
0x20: {  	_ =	swait.ge [sflag:s21], $0x800  }
0x21: {  	[sflag:s21] =	ssyncset.done $0x0  }
0x22: {  	[sflag:s21] =	ssyncadd.s32 $0xFFFFF800  }
0x23: {  	_ =	swait.ge [sflag:s21], $0x800  }
0x24: {  	[sflag:s21] =	ssyncset.done $0x0  }
0x25: {  	[sflag:s21] =	ssyncadd.s32 $0xFFFFF800  }
0x26: {  	_ =	swait.ge [sflag:s21], $0x800  }
0x27: {  	[sflag:s21] =	ssyncset.done $0x0  }
0x28: {  	[sflag:s21] =	ssyncadd.s32 $0xFFFFF800  }
0x29: {  	_ =	swait.ge [sflag:s21], $0x800  }
0x2a: {  	[sflag:s21] =	ssyncset.done $0x0  }
0x2b: {  	s23 =	ssub.s32 $0x2, s23;
	[sflag:s21] =	ssyncadd.s32 $0xFFFFF800  }
0x2c: {  	s25 =	sshrl.u32 s23, $0x1;
	_ =	swait.ge [sflag:s21], $0x800  }
0x2d: {  	s23 =	ssub.s32 s23, s25;
	[sflag:s21] =	ssyncset.done $0x0  }
0x2e: {  	s23 =	smax.u32 s23, $0x1;
	[sflag:s21] =	ssyncadd.s32 $0xFFFFF800  }
0x2f: {  	s24 =	sshll.u32 s24, $0x1;
	p0 =	sne.s32 s23, $0x1;
	_ =	swait.ge [sflag:s21], $0x800  }
.Ltmp0:
0x30: {  	s22 =	sadd.s32 s24, s22;
	[sflag:s21] =	ssyncset.done $0x0;
	(pc) =	sbr.rel @!p0 .LBB2_2-.Ltmp0, $4  }
0x31: {  	s22 =	sadd.s32 $0x1000, s22;
	[sflag:s21] =	ssyncadd.s32 $0xFFFFF800  }
0x32: {  	[hbm4b:s22+s3] =	stream.linear.scatter [tilespmem:s7], [sflag:$0x2], $0x4000, $0x38;
	[tilespmem:$0x4400] =	vst v63  }
0x33: {  	_ =	swait.ge [sflag:s4], $0x4000  }
0x34: {  	s23 =	sadd.s32 $0xFFFFFFFF, s23;
	[sflag:s4] =	ssyncset.done $0x0  }
.LBB2_1:
0x35: {  	p0 =	sne.s32 s23, $0x1;
	s23 =	sadd.s32 $0xFFFFFFFF, s23;
	[sflag:s4] =	ssyncadd.s32 $0xFFFFC000  }
0x36: {  	[tilespmem:s3], [sflag:$0x2] =	stream.linear.gather [hbm4b:s5+s3], $0x400, $0x38;
	[tilespmem:$0x4400] =	vst v63  }
0x37: {  	_ =	swait.ge [sflag:s4], $0x400  }
0x38: {  	[sflag:s4] =	ssyncset.done $0x0  }
0x39: {  	[sflag:s4] =	ssyncadd.s32 $0xFFFFFC00  }
0x3a: {  	[tilespmem:s7], [sflag:$0x1] =	stream.indirect.gather [hbm4b:s1+s6], $0x10, s3, s6, $0xb8;
	[tilespmem:$0x4400] =	vst v63  }
0x3b: {  	_ = 	snop  }
0x3c: {  	[tilespmem:s8], [sflag:$0x1] =	stream.indirect.gather [hbm4b:s1+s6], $0x10, s6, s6, $0xb8;
	[tilespmem:$0x4400] =	vst v63  }
0x3d: {  	_ = 	snop  }
0x3e: {  	[tilespmem:s10], [sflag:$0x1] =	stream.indirect.gather [hbm4b:s1+s6], $0x10, s9, s6, $0xb8;
	[tilespmem:$0x4400] =	vst v63  }
0x3f: {  	_ = 	snop  }
0x40: {  	[tilespmem:s12], [sflag:$0x1] =	stream.indirect.gather [hbm4b:s1+s6], $0x10, s11, s6, $0xb8;
	[tilespmem:$0x4400] =	vst v63  }
0x41: {  	_ = 	snop  }
0x42: {  	[tilespmem:s14], [sflag:$0x1] =	stream.indirect.gather [hbm4b:s1+s6], $0x10, s13, s6, $0xb8;
	[tilespmem:$0x4400] =	vst v63  }
0x43: {  	_ = 	snop  }
0x44: {  	[tilespmem:s16], [sflag:$0x1] =	stream.indirect.gather [hbm4b:s1+s6], $0x10, s15, s6, $0xb8;
	[tilespmem:$0x4400] =	vst v63  }
0x45: {  	_ = 	snop  }
0x46: {  	[tilespmem:s18], [sflag:$0x1] =	stream.indirect.gather [hbm4b:s1+s6], $0x10, s17, s6, $0xb8;
	[tilespmem:$0x4400] =	vst v63  }
0x47: {  	_ = 	snop  }
0x48: {  	[tilespmem:s20], [sflag:$0x1] =	stream.indirect.gather [hbm4b:s1+s6], $0x10, s19, s6, $0xb8;
	[tilespmem:$0x4400] =	vst v63  }
0x49: {  	_ =	swait.ge [sflag:s21], $0x800  }
0x4a: {  	[sflag:s21] =	ssyncset.done $0x0  }
0x4b: {  	[sflag:s21] =	ssyncadd.s32 $0xFFFFF800  }
0x4c: {  	_ =	swait.ge [sflag:s21], $0x800  }
0x4d: {  	[sflag:s21] =	ssyncset.done $0x0  }
0x4e: {  	[sflag:s21] =	ssyncadd.s32 $0xFFFFF800  }
0x4f: {  	_ =	swait.ge [sflag:s21], $0x800  }
0x50: {  	[sflag:s21] =	ssyncset.done $0x0  }
0x51: {  	[sflag:s21] =	ssyncadd.s32 $0xFFFFF800  }
0x52: {  	_ =	swait.ge [sflag:s21], $0x800  }
0x53: {  	[sflag:s21] =	ssyncset.done $0x0  }
0x54: {  	[sflag:s21] =	ssyncadd.s32 $0xFFFFF800  }
0x55: {  	_ =	swait.ge [sflag:s21], $0x800  }
0x56: {  	[sflag:s21] =	ssyncset.done $0x0  }
0x57: {  	[sflag:s21] =	ssyncadd.s32 $0xFFFFF800  }
0x58: {  	_ =	swait.ge [sflag:s21], $0x800  }
0x59: {  	[sflag:s21] =	ssyncset.done $0x0  }
0x5a: {  	[sflag:s21] =	ssyncadd.s32 $0xFFFFF800  }
0x5b: {  	_ =	swait.ge [sflag:s21], $0x800  }
0x5c: {  	[sflag:s21] =	ssyncset.done $0x0  }
0x5d: {  	[sflag:s21] =	ssyncadd.s32 $0xFFFFF800  }
0x5e: {  	_ =	swait.ge [sflag:s21], $0x800  }
.Ltmp1:
0x5f: {  	[sflag:s21] =	ssyncset.done $0x0;
	(pc) =	sbr.rel @p0 .LBB2_1-.Ltmp1, $4  }
0x60: {  	[sflag:s21] =	ssyncadd.s32 $0xFFFFF800  }
0x61: {  	[hbm4b:s22+s3] =	stream.linear.scatter [tilespmem:s7], [sflag:$0x2], $0x4000, $0x38;
	[tilespmem:$0x4400] =	vst v63  }
0x62: {  	_ =	swait.ge [sflag:s4], $0x4000  }
0x63: {  	[sflag:s4] =	ssyncset.done $0x0  }
.LBB2_2:
0x64: {  	[sflag:s4] =	ssyncadd.s32 $0xFFFFC000  }
0x65: {  	_ =	sfence.sel $0x180000  }
0x66: {  	[bflag:$0x0] =	sbarrier.arrive $0xFFFF  }
0x67: {  	p0 =	sne.s32 s0, $0x0;
	_ =	strace $0x90000047  }
0x68: {  	s0 =	sadd.s32 @!p0 $0x100000, s2;
	[bflag:$0x2] =	sbarrier.arrive $0xFFFF  }
0x69: {  	[sflag:s0] =	ssyncadd.tile.s32 @!p0 $0x1;
	_ =	shalt  }
.Lfunc_end2:
_tile_overlayer_lowered:
.L_overlay_start_2:
0x6a: {  	(tag) =	ssettag $0x2  }
0x6b: {  	s0 =	rddreg [dreg:$0x0];
	s2 =	stileid.u32  }
0x6c: {  	s1 =	rddreg [dreg:$0x1];
	p0 =	sne.s32 s2, $0x0  }
0x6d: {  	s3 =	rddreg [dreg:$0x2];
	[bflag:$0x3] =	sbarrier.arrive $0xFFFF;
	s2 =	simm.s32 @!p0 $0x1C02  }
0x6e: {  	[timem:s3], [sflag:s2] =	dma.local @!p0 [hbm:s0], s1  }
0x6f: {  	s0 =	simm.s32 @!p0 $0x2  }
0x70: {  	_ =	swait.ge @!p0 [sflag:s0], s1  }
0x71: {  	s1 =	ssub.s32 @!p0 $0x0, s1;
	[sflag:s0] =	ssyncset.done @!p0 $0x0  }
0x72: {  	[sflag:s0] =	ssyncadd.s32 @!p0 s1  }
0x73: {  	[bflag:$0x3] =	sbarrier.arrive $0xFFFF  }
0x74: {  	_ =	shalt  }

</sc_bundles>
